<compile_context>
chip_gen: v7x
topology: tpu7x:2x2x1
jax: 0.10.2.dev20260603
libtpu: 0.0.44.dev20260713+nightly
codegen_flags: <defaults>
</compile_context>

<pallas_src>
import functools

import jax
import jax.numpy as jnp
from jax import lax
from jax.experimental import pallas as pl
from jax.experimental.pallas import tpu as pltpu
from jax.experimental.pallas import tpu_sc as plsc

_VOCAB = 1_000_000
_DIM = 64
_BATCH = 4096
_SEQ = 200

_NC = 2
_NS = 16
_NW = _NC * _NS
_ROWS_W = _BATCH // _NW
_GROUPS = _ROWS_W // 16
_IPW = _ROWS_W * _SEQ
_QV = _DIM // 16


_NBUF = 4


def _sc_body(idx_hbm, tab_hbm, wb_hbm, out_hbm, idx_v, b0, b1, b2, b3, wb_v,
             part_v, out_v, s0, s1, s2, s3):
    wid = lax.axis_index("s") * _NC + lax.axis_index("c")
    bufs = (b0, b1, b2, b3)
    sems = (s0, s1, s2, s3)
    pltpu.sync_copy(idx_hbm.at[wid], idx_v)
    pltpu.sync_copy(wb_hbm, wb_v)
    w = [wb_v[pl.ds(q * 16, 16)] for q in range(_QV)]
    bias = wb_v[pl.ds(_DIM, 16)]
    lane = lax.iota(jnp.int32, 16)

    def fire(r, slot):
        pltpu.async_copy(
            tab_hbm.at[pl.ds((wid * _IPW + r * 400) % 999600, 400)], bufs[slot], sems[slot]
        )

    def drain(slot):
        pltpu.make_async_copy(
            tab_hbm.at[pl.ds(0, 400)], bufs[slot], sems[slot]
        ).wait()

    for b in range(2):
        fire(b, b)

    def group(g, carry):
        acc16 = jnp.full((16,), 0.0, jnp.float32)
        for rloc in range(8):
            slot = rloc % 2
            r = g * 8 + rloc
            drain(slot)
            buf = bufs[slot]

            def step(t, accs, buf=buf):
                res = []
                for q in range(_QV):
                    a = accs[q]
                    for ss in range(4):
                        a = a + buf[t * 4 + ss, pl.ds(q * 16, 16)]
                    res.append(a)
                return tuple(res)

            accs = tuple(buf[0, pl.ds(q * 16, 16)] for q in range(_QV))
            s1v = accs[0] * w[0]
            for q in range(1, _QV):
                s1v = s1v + accs[q] * w[q]
            total = s1v[0]
            for i in range(1, 16):
                total = total + s1v[i]
            acc16 = jnp.where(lane == rloc, total, acc16)
            if rloc < 6:
                fire(r + 2, slot)
            else:
                @pl.when(g < _GROUPS - 1)
                def _():
                    fire(r + 2, slot)
        out_v[pl.ds(g * 16, 16)] = acc16 + bias
        return carry

    lax.fori_loop(0, _GROUPS, group, 0)
    pltpu.sync_copy(out_v, out_hbm.at[pl.ds(wid * _ROWS_W, _ROWS_W)])


@functools.lru_cache(maxsize=1)
def _sc_kernel():
    return pl.kernel(
        _sc_body,
        out_type=jax.ShapeDtypeStruct((_BATCH,), jnp.float32),
        mesh=plsc.VectorSubcoreMesh(
            core_axis_name="c", subcore_axis_name="s", num_cores=_NC, num_subcores=_NS
        ),
        compiler_params=pltpu.CompilerParams(use_tc_tiling_on_sc=False),
        scratch_types=[
            pltpu.VMEM((_IPW,), jnp.int32),
            pltpu.VMEM((400, _DIM), jnp.float32),
            pltpu.VMEM((400, _DIM), jnp.float32),
            pltpu.VMEM((400, _DIM), jnp.float32),
            pltpu.VMEM((400, _DIM), jnp.float32),
            pltpu.VMEM((_DIM + 16,), jnp.float32),
            pltpu.VMEM((16,), jnp.float32),
            pltpu.VMEM((_ROWS_W,), jnp.float32),
            pltpu.SemaphoreType.DMA,
            pltpu.SemaphoreType.DMA,
            pltpu.SemaphoreType.DMA,
            pltpu.SemaphoreType.DMA,
        ],
    )


def kernel(idx_tensor, table, fc_w, fc_b):
    idx2 = idx_tensor.reshape(_NW, _IPW)
    wv = fc_w.astype(jnp.float32).reshape(_DIM) * (1.0 / _SEQ)
    wb = jnp.concatenate(
        [wv, jnp.broadcast_to(fc_b.astype(jnp.float32), (16,))]
    )
    return _sc_kernel()(idx2, table, wb)

# --- scband reference (transcript-rebuilt; emitter-appended) ---
"""Pipeline reference for scband-simple-sent-classifier-41635412967824 (READ-ONLY COPY).

The authoritative reference and input builder live on the scoring server;
editing this copy changes nothing except your own understanding.
"""

import jax, jax.numpy as jnp
import numpy as np

VOCAB = 1000000
EMBED_DIM = 64
BATCH = 4096
SEQ = 200

def setup_inputs(seed: int = 0) -> dict:
    key = jax.random.key(seed)
    k_idx, k_tab, k_w, k_b = jax.random.split(key, 4)
    idx_tensor = jax.random.randint(k_idx, (BATCH, SEQ), 0, VOCAB, dtype=jnp.int64 if jax.config.jax_enable_x64 else jnp.int32).astype(jnp.int32)
    table = jax.random.normal(k_tab, (VOCAB, EMBED_DIM), dtype=jnp.float32)
    fc_w = jax.random.normal(k_w, (1, EMBED_DIM), dtype=jnp.float32) * (1.0 / np.sqrt(EMBED_DIM))
    fc_b = jax.random.normal(k_b, (1,), dtype=jnp.float32) * 0.01
    return {"idx_tensor": idx_tensor, "table": table, "fc_w": fc_w, "fc_b": fc_b}

def reference(idx_tensor, table, fc_w, fc_b):
    # embedding lookup (gather)
    emb = jnp.take(table, idx_tensor, axis=0)          # [B, S, D]
    sent_vec = emb.mean(axis=1)                         # [B, D]
    logit = sent_vec @ fc_w.T + fc_b                    # [B, 1]
    return logit.squeeze(1)                             # [B]

if __name__ == "__main__":
    import jax
    _d = setup_inputs()
    print(jax.jit(kernel)(*tuple(_d.values())))

</pallas_src>

<mosaic_0001>
#map = affine_map<(d0, d1) -> (0, 0)>
#map1 = affine_map<(d0, d1) -> (0)>
module attributes {stable_mosaic.version = 14 : i64} {
  func.func @_sc_body(%arg0: i32, %arg1: i32, %arg2: memref<32x25600xi32, #tpu.memory_space<hbm>>, %arg3: memref<1000000x64xf32, #tpu.memory_space<hbm>>, %arg4: memref<80xf32, #tpu.memory_space<hbm>>, %arg5: memref<4096xf32, #tpu.memory_space<hbm>>, %arg6: memref<25600xi32, #tpu.memory_space<vmem>>, %arg7: memref<400x64xf32, #tpu.memory_space<vmem>>, %arg8: memref<400x64xf32, #tpu.memory_space<vmem>>, %arg9: memref<400x64xf32, #tpu.memory_space<vmem>>, %arg10: memref<400x64xf32, #tpu.memory_space<vmem>>, %arg11: memref<80xf32, #tpu.memory_space<vmem>>, %arg12: memref<16xf32, #tpu.memory_space<vmem>>, %arg13: memref<128xf32, #tpu.memory_space<vmem>>, %arg14: memref<!tpu.dma_semaphore, #tpu.memory_space<semaphore_mem>>, %arg15: memref<!tpu.dma_semaphore, #tpu.memory_space<semaphore_mem>>, %arg16: memref<!tpu.dma_semaphore, #tpu.memory_space<semaphore_mem>>, %arg17: memref<!tpu.dma_semaphore, #tpu.memory_space<semaphore_mem>>) attributes {dimension_semantics = [#tpu.dimension_semantics<core_parallel>, #tpu.dimension_semantics<subcore_parallel>], iteration_bounds = array<i64: 2, 16>, scalar_prefetch = 0 : i64, scratch_operands = 12 : i64, tpu.core_type = #tpu.core_type<sc_vector_subcore>, window_params = [{transform_indices = #map}, {transform_indices = #map}, {transform_indices = #map1}, {transform_indices = #map1}]} {
    %mul3A = arith.constant 2 : i32
    %mul3A_0 = arith.muli %arg1, %mul3A : i32
    %add3A = arith.addi %mul3A_0, %arg0 : i32
    "tpu.region"() ({
      %run_scoped3A = tpu.sem_alloc : memref<!tpu.dma_semaphore, #tpu.memory_space<semaphore_mem>>
      %dma_start3A_62 = arith.constant 0 : i32
      %dma_start3A_63 = tpu.memref_slice %arg2[%add3A, %dma_start3A_62] : memref<32x25600xi32, #tpu.memory_space<hbm>> -> memref<1x25600xi32, #tpu.memory_space<hbm>>
      %dma_start3A_64 = tpu.memref_squeeze %dma_start3A_63 : memref<1x25600xi32, #tpu.memory_space<hbm>> -> memref<25600xi32, #tpu.memory_space<hbm>>
      %dma_start3A_65 = arith.constant 0 : i32
      %dma_start3A_66 = tpu.memref_slice %arg2[%add3A, %dma_start3A_65] : memref<32x25600xi32, #tpu.memory_space<hbm>> -> memref<1x25600xi32, #tpu.memory_space<hbm>>
      %dma_start3A_67 = tpu.memref_squeeze %dma_start3A_66 : memref<1x25600xi32, #tpu.memory_space<hbm>> -> memref<25600xi32, #tpu.memory_space<hbm>>
      tpu.enqueue_dma source(%dma_start3A_67 : memref<25600xi32, #tpu.memory_space<hbm>>) target(%arg6 : memref<25600xi32, #tpu.memory_space<vmem>>) target_semaphore(%run_scoped3A : memref<!tpu.dma_semaphore, #tpu.memory_space<semaphore_mem>>)
      %dma_wait3A = arith.constant 0 : i32
      %dma_wait3A_68 = tpu.memref_slice %arg2[%add3A, %dma_wait3A] : memref<32x25600xi32, #tpu.memory_space<hbm>> -> memref<1x25600xi32, #tpu.memory_space<hbm>>
      %dma_wait3A_69 = tpu.memref_squeeze %dma_wait3A_68 : memref<1x25600xi32, #tpu.memory_space<hbm>> -> memref<25600xi32, #tpu.memory_space<hbm>>
      %dma_wait3A_70 = arith.constant 0 : i32
      %dma_wait3A_71 = tpu.memref_slice %arg2[%add3A, %dma_wait3A_70] : memref<32x25600xi32, #tpu.memory_space<hbm>> -> memref<1x25600xi32, #tpu.memory_space<hbm>>
      %dma_wait3A_72 = tpu.memref_squeeze %dma_wait3A_71 : memref<1x25600xi32, #tpu.memory_space<hbm>> -> memref<25600xi32, #tpu.memory_space<hbm>>
      tpu.wait_dma2 semaphore(%run_scoped3A : memref<!tpu.dma_semaphore, #tpu.memory_space<semaphore_mem>>) src(%dma_wait3A_72 : memref<25600xi32, #tpu.memory_space<hbm>>) dst(%arg6 : memref<25600xi32, #tpu.memory_space<vmem>>)
      tpu.yield
    }) : () -> ()
    "tpu.region"() ({
      %run_scoped3A = tpu.sem_alloc : memref<!tpu.dma_semaphore, #tpu.memory_space<semaphore_mem>>
      tpu.enqueue_dma source(%arg4 : memref<80xf32, #tpu.memory_space<hbm>>) target(%arg11 : memref<80xf32, #tpu.memory_space<vmem>>) target_semaphore(%run_scoped3A : memref<!tpu.dma_semaphore, #tpu.memory_space<semaphore_mem>>)
      tpu.wait_dma2 semaphore(%run_scoped3A : memref<!tpu.dma_semaphore, #tpu.memory_space<semaphore_mem>>) src(%arg4 : memref<80xf32, #tpu.memory_space<hbm>>) dst(%arg11 : memref<80xf32, #tpu.memory_space<vmem>>)
      tpu.yield
    }) : () -> ()
    %get3A = arith.constant 0 : index
    %get3A_1 = tpu.vector_load %arg11[%get3A] {strides = array<i32>} : memref<80xf32, #tpu.memory_space<vmem>>, vector<16xf32>,
    %get3A_2 = vector.shape_cast %get3A_1 : vector<16xf32> to vector<16xf32>
    %get3A_3 = arith.constant 16 : index
    %get3A_4 = tpu.vector_load %arg11[%get3A_3] {strides = array<i32>} : memref<80xf32, #tpu.memory_space<vmem>>, vector<16xf32>,
    %get3A_5 = vector.shape_cast %get3A_4 : vector<16xf32> to vector<16xf32>
    %get3A_6 = arith.constant 32 : index
    %get3A_7 = tpu.vector_load %arg11[%get3A_6] {strides = array<i32>} : memref<80xf32, #tpu.memory_space<vmem>>, vector<16xf32>,
    %get3A_8 = vector.shape_cast %get3A_7 : vector<16xf32> to vector<16xf32>
    %get3A_9 = arith.constant 48 : index
    %get3A_10 = tpu.vector_load %arg11[%get3A_9] {strides = array<i32>} : memref<80xf32, #tpu.memory_space<vmem>>, vector<16xf32>,
    %get3A_11 = vector.shape_cast %get3A_10 : vector<16xf32> to vector<16xf32>
    %get3A_12 = arith.constant 64 : index
    %get3A_13 = tpu.vector_load %arg11[%get3A_12] {strides = array<i32>} : memref<80xf32, #tpu.memory_space<vmem>>, vector<16xf32>,
    %get3A_14 = vector.shape_cast %get3A_13 : vector<16xf32> to vector<16xf32>
    %iota3A = tpu.iota {dimensions = array<i32: 0>} : vector<16xi32>
    %mul3A_15 = arith.constant 25600 : i32
    %mul3A_16 = arith.muli %add3A, %mul3A_15 : i32
    %add3A_17 = arith.constant 0 : i32
    %add3A_18 = arith.addi %mul3A_16, %add3A_17 : i32
    %jit3A = arith.constant 999600 : i32
    %eq3A = arith.constant 0 : i32
    %eq3A_19 = arith.cmpi eq, %jit3A, %eq3A : i32
    %jit3A_20 = arith.constant 1 : i32
    %select_n3A = arith.select %eq3A_19, %jit3A_20, %jit3A : i32
    %rem3A = arith.remsi %add3A_18, %select_n3A : i32
    %ne3A = arith.constant 0 : i32
    %ne3A_21 = arith.cmpi ne, %rem3A, %ne3A : i32
    %lt3A = arith.constant 0 : i32
    %lt3A_22 = arith.cmpi slt, %rem3A, %lt3A : i32
    %lt3A_23 = arith.constant 0 : i32
    %lt3A_24 = arith.cmpi slt, %select_n3A, %lt3A_23 : i32
    %ne3A_25 = arith.xori %lt3A_22, %lt3A_24 : i1
    %and3A = arith.andi %ne3A_25, %ne3A_21 : i1
    %add3A_26 = arith.addi %rem3A, %select_n3A : i32
    %select_n3A_27 = arith.select %and3A, %add3A_26, %rem3A : i32
    %dma_start3A = arith.constant 0 : i32
    %dma_start3A_28 = tpu.memref_slice %arg3[%select_n3A_27, %dma_start3A] : memref<1000000x64xf32, #tpu.memory_space<hbm>> -> memref<400x64xf32, #tpu.memory_space<hbm>>
    %dma_start3A_29 = arith.constant 0 : i32
    %dma_start3A_30 = tpu.memref_slice %arg3[%select_n3A_27, %dma_start3A_29] : memref<1000000x64xf32, #tpu.memory_space<hbm>> -> memref<400x64xf32, #tpu.memory_space<hbm>>
    tpu.enqueue_dma source(%dma_start3A_30 : memref<400x64xf32, #tpu.memory_space<hbm>>) target(%arg7 : memref<400x64xf32, #tpu.memory_space<vmem>>) target_semaphore(%arg14 : memref<!tpu.dma_semaphore, #tpu.memory_space<semaphore_mem>>)
    %mul3A_31 = arith.constant 25600 : i32
    %mul3A_32 = arith.muli %add3A, %mul3A_31 : i32
    %add3A_33 = arith.constant 400 : i32
    %add3A_34 = arith.addi %mul3A_32, %add3A_33 : i32
    %jit3A_35 = arith.constant 999600 : i32
    %eq3A_36 = arith.constant 0 : i32
    %eq3A_37 = arith.cmpi eq, %jit3A_35, %eq3A_36 : i32
    %jit3A_38 = arith.constant 1 : i32
    %select_n3A_39 = arith.select %eq3A_37, %jit3A_38, %jit3A_35 : i32
    %rem3A_40 = arith.remsi %add3A_34, %select_n3A_39 : i32
    %ne3A_41 = arith.constant 0 : i32
    %ne3A_42 = arith.cmpi ne, %rem3A_40, %ne3A_41 : i32
    %lt3A_43 = arith.constant 0 : i32
    %lt3A_44 = arith.cmpi slt, %rem3A_40, %lt3A_43 : i32
    %lt3A_45 = arith.constant 0 : i32
    %lt3A_46 = arith.cmpi slt, %select_n3A_39, %lt3A_45 : i32
    %ne3A_47 = arith.xori %lt3A_44, %lt3A_46 : i1
    %and3A_48 = arith.andi %ne3A_47, %ne3A_42 : i1
    %add3A_49 = arith.addi %rem3A_40, %select_n3A_39 : i32
    %select_n3A_50 = arith.select %and3A_48, %add3A_49, %rem3A_40 : i32
    %dma_start3A_51 = arith.constant 0 : i32
    %dma_start3A_52 = tpu.memref_slice %arg3[%select_n3A_50, %dma_start3A_51] : memref<1000000x64xf32, #tpu.memory_space<hbm>> -> memref<400x64xf32, #tpu.memory_space<hbm>>
    %dma_start3A_53 = arith.constant 0 : i32
    %dma_start3A_54 = tpu.memref_slice %arg3[%select_n3A_50, %dma_start3A_53] : memref<1000000x64xf32, #tpu.memory_space<hbm>> -> memref<400x64xf32, #tpu.memory_space<hbm>>
    tpu.enqueue_dma source(%dma_start3A_54 : memref<400x64xf32, #tpu.memory_space<hbm>>) target(%arg8 : memref<400x64xf32, #tpu.memory_space<vmem>>) target_semaphore(%arg15 : memref<!tpu.dma_semaphore, #tpu.memory_space<semaphore_mem>>)
    %scan3A = arith.constant 0 : i32
    %scan3A_55 = arith.constant 0 : i32
    %scan3A_56 = arith.constant 8 : i32
    %scan3A_57 = arith.addi %scan3A_55, %scan3A_56 : i32
    %scan3A_58 = arith.constant 1 : i32
    scf.for %scan3A_62 = %scan3A_55 to %scan3A_57 step %scan3A_58  : i32 {
      %broadcast_in_dim3A = arith.constant 0.000000e+00 : f32
      %broadcast_in_dim3A_63 = vector.broadcast %broadcast_in_dim3A : f32 to vector<16xf32>
      %mul3A_64 = arith.constant 8 : i32
      %mul3A_65 = arith.muli %scan3A_62, %mul3A_64 : i32
      %add3A_66 = arith.constant 0 : i32
      %add3A_67 = arith.addi %mul3A_65, %add3A_66 : i32
      %dma_wait3A = arith.constant 0 : i32
      %dma_wait3A_68 = arith.constant 0 : i32
      %dma_wait3A_69 = tpu.memref_slice %arg3[%dma_wait3A, %dma_wait3A_68] : memref<1000000x64xf32, #tpu.memory_space<hbm>> -> memref<400x64xf32, #tpu.memory_space<hbm>>
      %dma_wait3A_70 = arith.constant 0 : i32
      %dma_wait3A_71 = arith.constant 0 : i32
      %dma_wait3A_72 = tpu.memref_slice %arg3[%dma_wait3A_70, %dma_wait3A_71] : memref<1000000x64xf32, #tpu.memory_space<hbm>> -> memref<400x64xf32, #tpu.memory_space<hbm>>
      tpu.wait_dma2 semaphore(%arg14 : memref<!tpu.dma_semaphore, #tpu.memory_space<semaphore_mem>>) src(%dma_wait3A_72 : memref<400x64xf32, #tpu.memory_space<hbm>>) dst(%arg7 : memref<400x64xf32, #tpu.memory_space<vmem>>)
      %get3A_73 = arith.constant 0 : i32
      %get3A_74 = arith.index_cast %get3A_73 : i32 to index
      %get3A_75 = arith.constant 0 : index
      %get3A_76 = tpu.vector_load %arg7[%get3A_74, %get3A_75] {strides = array<i32>} : memref<400x64xf32, #tpu.memory_space<vmem>>, vector<1x16xf32>,
      %get3A_77 = vector.shape_cast %get3A_76 : vector<1x16xf32> to vector<16xf32>
      %get3A_78 = arith.constant 0 : i32
      %get3A_79 = arith.index_cast %get3A_78 : i32 to index
      %get3A_80 = arith.constant 16 : index
      %get3A_81 = tpu.vector_load %arg7[%get3A_79, %get3A_80] {strides = array<i32>} : memref<400x64xf32, #tpu.memory_space<vmem>>, vector<1x16xf32>,
      %get3A_82 = vector.shape_cast %get3A_81 : vector<1x16xf32> to vector<16xf32>
      %get3A_83 = arith.constant 0 : i32
      %get3A_84 = arith.index_cast %get3A_83 : i32 to index
      %get3A_85 = arith.constant 32 : index
      %get3A_86 = tpu.vector_load %arg7[%get3A_84, %get3A_85] {strides = array<i32>} : memref<400x64xf32, #tpu.memory_space<vmem>>, vector<1x16xf32>,
      %get3A_87 = vector.shape_cast %get3A_86 : vector<1x16xf32> to vector<16xf32>
      %get3A_88 = arith.constant 0 : i32
      %get3A_89 = arith.index_cast %get3A_88 : i32 to index
      %get3A_90 = arith.constant 48 : index
      %get3A_91 = tpu.vector_load %arg7[%get3A_89, %get3A_90] {strides = array<i32>} : memref<400x64xf32, #tpu.memory_space<vmem>>, vector<1x16xf32>,
      %get3A_92 = vector.shape_cast %get3A_91 : vector<1x16xf32> to vector<16xf32>
      %mul3A_93 = arith.mulf %get3A_77, %get3A_2 : vector<16xf32>
      %mul3A_94 = arith.mulf %get3A_82, %get3A_5 : vector<16xf32>
      %add3A_95 = arith.addf %mul3A_93, %mul3A_94 : vector<16xf32>
      %mul3A_96 = arith.mulf %get3A_87, %get3A_8 : vector<16xf32>
      %add3A_97 = arith.addf %add3A_95, %mul3A_96 : vector<16xf32>
      %mul3A_98 = arith.mulf %get3A_92, %get3A_11 : vector<16xf32>
      %add3A_99 = arith.addf %add3A_97, %mul3A_98 : vector<16xf32>
      %slice3A = vector.extract_strided_slice %add3A_99 {offsets = [0], sizes = [1], strides = [1]} : vector<16xf32> to vector<1xf32>
      %squeeze3A = vector.extract %slice3A[0] : f32 from vector<1xf32>
      %slice3A_100 = vector.extract_strided_slice %add3A_99 {offsets = [1], sizes = [1], strides = [1]} : vector<16xf32> to vector<1xf32>
      %squeeze3A_101 = vector.extract %slice3A_100[0] : f32 from vector<1xf32>
      %add3A_102 = arith.addf %squeeze3A, %squeeze3A_101 : f32
      %slice3A_103 = vector.extract_strided_slice %add3A_99 {offsets = [2], sizes = [1], strides = [1]} : vector<16xf32> to vector<1xf32>
      %squeeze3A_104 = vector.extract %slice3A_103[0] : f32 from vector<1xf32>
      %add3A_105 = arith.addf %add3A_102, %squeeze3A_104 : f32
      %slice3A_106 = vector.extract_strided_slice %add3A_99 {offsets = [3], sizes = [1], strides = [1]} : vector<16xf32> to vector<1xf32>
      %squeeze3A_107 = vector.extract %slice3A_106[0] : f32 from vector<1xf32>
      %add3A_108 = arith.addf %add3A_105, %squeeze3A_107 : f32
      %slice3A_109 = vector.extract_strided_slice %add3A_99 {offsets = [4], sizes = [1], strides = [1]} : vector<16xf32> to vector<1xf32>
      %squeeze3A_110 = vector.extract %slice3A_109[0] : f32 from vector<1xf32>
      %add3A_111 = arith.addf %add3A_108, %squeeze3A_110 : f32
      %slice3A_112 = vector.extract_strided_slice %add3A_99 {offsets = [5], sizes = [1], strides = [1]} : vector<16xf32> to vector<1xf32>
      %squeeze3A_113 = vector.extract %slice3A_112[0] : f32 from vector<1xf32>
      %add3A_114 = arith.addf %add3A_111, %squeeze3A_113 : f32
      %slice3A_115 = vector.extract_strided_slice %add3A_99 {offsets = [6], sizes = [1], strides = [1]} : vector<16xf32> to vector<1xf32>
      %squeeze3A_116 = vector.extract %slice3A_115[0] : f32 from vector<1xf32>
      %add3A_117 = arith.addf %add3A_114, %squeeze3A_116 : f32
      %slice3A_118 = vector.extract_strided_slice %add3A_99 {offsets = [7], sizes = [1], strides = [1]} : vector<16xf32> to vector<1xf32>
      %squeeze3A_119 = vector.extract %slice3A_118[0] : f32 from vector<1xf32>
      %add3A_120 = arith.addf %add3A_117, %squeeze3A_119 : f32
      %slice3A_121 = vector.extract_strided_slice %add3A_99 {offsets = [8], sizes = [1], strides = [1]} : vector<16xf32> to vector<1xf32>
      %squeeze3A_122 = vector.extract %slice3A_121[0] : f32 from vector<1xf32>
      %add3A_123 = arith.addf %add3A_120, %squeeze3A_122 : f32
      %slice3A_124 = vector.extract_strided_slice %add3A_99 {offsets = [9], sizes = [1], strides = [1]} : vector<16xf32> to vector<1xf32>
      %squeeze3A_125 = vector.extract %slice3A_124[0] : f32 from vector<1xf32>
      %add3A_126 = arith.addf %add3A_123, %squeeze3A_125 : f32
      %slice3A_127 = vector.extract_strided_slice %add3A_99 {offsets = [10], sizes = [1], strides = [1]} : vector<16xf32> to vector<1xf32>
      %squeeze3A_128 = vector.extract %slice3A_127[0] : f32 from vector<1xf32>
      %add3A_129 = arith.addf %add3A_126, %squeeze3A_128 : f32
      %slice3A_130 = vector.extract_strided_slice %add3A_99 {offsets = [11], sizes = [1], strides = [1]} : vector<16xf32> to vector<1xf32>
      %squeeze3A_131 = vector.extract %slice3A_130[0] : f32 from vector<1xf32>
      %add3A_132 = arith.addf %add3A_129, %squeeze3A_131 : f32
      %slice3A_133 = vector.extract_strided_slice %add3A_99 {offsets = [12], sizes = [1], strides = [1]} : vector<16xf32> to vector<1xf32>
      %squeeze3A_134 = vector.extract %slice3A_133[0] : f32 from vector<1xf32>
      %add3A_135 = arith.addf %add3A_132, %squeeze3A_134 : f32
      %slice3A_136 = vector.extract_strided_slice %add3A_99 {offsets = [13], sizes = [1], strides = [1]} : vector<16xf32> to vector<1xf32>
      %squeeze3A_137 = vector.extract %slice3A_136[0] : f32 from vector<1xf32>
      %add3A_138 = arith.addf %add3A_135, %squeeze3A_137 : f32
      %slice3A_139 = vector.extract_strided_slice %add3A_99 {offsets = [14], sizes = [1], strides = [1]} : vector<16xf32> to vector<1xf32>
      %squeeze3A_140 = vector.extract %slice3A_139[0] : f32 from vector<1xf32>
      %add3A_141 = arith.addf %add3A_138, %squeeze3A_140 : f32
      %slice3A_142 = vector.extract_strided_slice %add3A_99 {offsets = [15], sizes = [1], strides = [1]} : vector<16xf32> to vector<1xf32>
      %squeeze3A_143 = vector.extract %slice3A_142[0] : f32 from vector<1xf32>
      %add3A_144 = arith.addf %add3A_141, %squeeze3A_143 : f32
      %eq3A_145 = arith.constant 0 : i32
      %eq3A_146 = vector.broadcast %eq3A_145 : i32 to vector<16xi32>
      %eq3A_147 = arith.cmpi eq, %iota3A, %eq3A_146 : vector<16xi32>
      %broadcast_in_dim3A_148 = vector.broadcast %add3A_144 : f32 to vector<16xf32>
      %select_n3A_149 = arith.select %eq3A_147, %broadcast_in_dim3A_148, %broadcast_in_dim3A_63 : vector<16xi1>, vector<16xf32>
      %add3A_150 = arith.constant 2 : i32
      %add3A_151 = arith.addi %add3A_67, %add3A_150 : i32
      %mul3A_152 = arith.constant 25600 : i32
      %mul3A_153 = arith.muli %add3A, %mul3A_152 : i32
      %mul3A_154 = arith.constant 400 : i32
      %mul3A_155 = arith.muli %add3A_151, %mul3A_154 : i32
      %add3A_156 = arith.addi %mul3A_153, %mul3A_155 : i32
      %jit3A_157 = arith.constant 999600 : i32
      %eq3A_158 = arith.constant 0 : i32
      %eq3A_159 = arith.cmpi eq, %jit3A_157, %eq3A_158 : i32
      %jit3A_160 = arith.constant 1 : i32
      %select_n3A_161 = arith.select %eq3A_159, %jit3A_160, %jit3A_157 : i32
      %rem3A_162 = arith.remsi %add3A_156, %select_n3A_161 : i32
      %ne3A_163 = arith.constant 0 : i32
      %ne3A_164 = arith.cmpi ne, %rem3A_162, %ne3A_163 : i32
      %lt3A_165 = arith.constant 0 : i32
      %lt3A_166 = arith.cmpi slt, %rem3A_162, %lt3A_165 : i32
      %lt3A_167 = arith.constant 0 : i32
      %lt3A_168 = arith.cmpi slt, %select_n3A_161, %lt3A_167 : i32
      %ne3A_169 = arith.xori %lt3A_166, %lt3A_168 : i1
      %and3A_170 = arith.andi %ne3A_169, %ne3A_164 : i1
      %add3A_171 = arith.addi %rem3A_162, %select_n3A_161 : i32
      %select_n3A_172 = arith.select %and3A_170, %add3A_171, %rem3A_162 : i32
      %dma_start3A_173 = arith.constant 0 : i32
      %dma_start3A_174 = tpu.memref_slice %arg3[%select_n3A_172, %dma_start3A_173] : memref<1000000x64xf32, #tpu.memory_space<hbm>> -> memref<400x64xf32, #tpu.memory_space<hbm>>
      %dma_start3A_175 = arith.constant 0 : i32
      %dma_start3A_176 = tpu.memref_slice %arg3[%select_n3A_172, %dma_start3A_175] : memref<1000000x64xf32, #tpu.memory_space<hbm>> -> memref<400x64xf32, #tpu.memory_space<hbm>>
      tpu.enqueue_dma source(%dma_start3A_176 : memref<400x64xf32, #tpu.memory_space<hbm>>) target(%arg7 : memref<400x64xf32, #tpu.memory_space<vmem>>) target_semaphore(%arg14 : memref<!tpu.dma_semaphore, #tpu.memory_space<semaphore_mem>>)
      %mul3A_177 = arith.constant 8 : i32
      %mul3A_178 = arith.muli %scan3A_62, %mul3A_177 : i32
      %add3A_179 = arith.constant 1 : i32
      %add3A_180 = arith.addi %mul3A_178, %add3A_179 : i32
      %dma_wait3A_181 = arith.constant 0 : i32
      %dma_wait3A_182 = arith.constant 0 : i32
      %dma_wait3A_183 = tpu.memref_slice %arg3[%dma_wait3A_181, %dma_wait3A_182] : memref<1000000x64xf32, #tpu.memory_space<hbm>> -> memref<400x64xf32, #tpu.memory_space<hbm>>
      %dma_wait3A_184 = arith.constant 0 : i32
      %dma_wait3A_185 = arith.constant 0 : i32
      %dma_wait3A_186 = tpu.memref_slice %arg3[%dma_wait3A_184, %dma_wait3A_185] : memref<1000000x64xf32, #tpu.memory_space<hbm>> -> memref<400x64xf32, #tpu.memory_space<hbm>>
      tpu.wait_dma2 semaphore(%arg15 : memref<!tpu.dma_semaphore, #tpu.memory_space<semaphore_mem>>) src(%dma_wait3A_186 : memref<400x64xf32, #tpu.memory_space<hbm>>) dst(%arg8 : memref<400x64xf32, #tpu.memory_space<vmem>>)
      %get3A_187 = arith.constant 0 : i32
      %get3A_188 = arith.index_cast %get3A_187 : i32 to index
      %get3A_189 = arith.constant 0 : index
      %get3A_190 = tpu.vector_load %arg8[%get3A_188, %get3A_189] {strides = array<i32>} : memref<400x64xf32, #tpu.memory_space<vmem>>, vector<1x16xf32>,
      %get3A_191 = vector.shape_cast %get3A_190 : vector<1x16xf32> to vector<16xf32>
      %get3A_192 = arith.constant 0 : i32
      %get3A_193 = arith.index_cast %get3A_192 : i32 to index
      %get3A_194 = arith.constant 16 : index
      %get3A_195 = tpu.vector_load %arg8[%get3A_193, %get3A_194] {strides = array<i32>} : memref<400x64xf32, #tpu.memory_space<vmem>>, vector<1x16xf32>,
      %get3A_196 = vector.shape_cast %get3A_195 : vector<1x16xf32> to vector<16xf32>
      %get3A_197 = arith.constant 0 : i32
      %get3A_198 = arith.index_cast %get3A_197 : i32 to index
      %get3A_199 = arith.constant 32 : index
      %get3A_200 = tpu.vector_load %arg8[%get3A_198, %get3A_199] {strides = array<i32>} : memref<400x64xf32, #tpu.memory_space<vmem>>, vector<1x16xf32>,
      %get3A_201 = vector.shape_cast %get3A_200 : vector<1x16xf32> to vector<16xf32>
      %get3A_202 = arith.constant 0 : i32
      %get3A_203 = arith.index_cast %get3A_202 : i32 to index
      %get3A_204 = arith.constant 48 : index
      %get3A_205 = tpu.vector_load %arg8[%get3A_203, %get3A_204] {strides = array<i32>} : memref<400x64xf32, #tpu.memory_space<vmem>>, vector<1x16xf32>,
      %get3A_206 = vector.shape_cast %get3A_205 : vector<1x16xf32> to vector<16xf32>
      %mul3A_207 = arith.mulf %get3A_191, %get3A_2 : vector<16xf32>
      %mul3A_208 = arith.mulf %get3A_196, %get3A_5 : vector<16xf32>
      %add3A_209 = arith.addf %mul3A_207, %mul3A_208 : vector<16xf32>
      %mul3A_210 = arith.mulf %get3A_201, %get3A_8 : vector<16xf32>
      %add3A_211 = arith.addf %add3A_209, %mul3A_210 : vector<16xf32>
      %mul3A_212 = arith.mulf %get3A_206, %get3A_11 : vector<16xf32>
      %add3A_213 = arith.addf %add3A_211, %mul3A_212 : vector<16xf32>
      %slice3A_214 = vector.extract_strided_slice %add3A_213 {offsets = [0], sizes = [1], strides = [1]} : vector<16xf32> to vector<1xf32>
      %squeeze3A_215 = vector.extract %slice3A_214[0] : f32 from vector<1xf32>
      %slice3A_216 = vector.extract_strided_slice %add3A_213 {offsets = [1], sizes = [1], strides = [1]} : vector<16xf32> to vector<1xf32>
      %squeeze3A_217 = vector.extract %slice3A_216[0] : f32 from vector<1xf32>
      %add3A_218 = arith.addf %squeeze3A_215, %squeeze3A_217 : f32
      %slice3A_219 = vector.extract_strided_slice %add3A_213 {offsets = [2], sizes = [1], strides = [1]} : vector<16xf32> to vector<1xf32>
      %squeeze3A_220 = vector.extract %slice3A_219[0] : f32 from vector<1xf32>
      %add3A_221 = arith.addf %add3A_218, %squeeze3A_220 : f32
      %slice3A_222 = vector.extract_strided_slice %add3A_213 {offsets = [3], sizes = [1], strides = [1]} : vector<16xf32> to vector<1xf32>
      %squeeze3A_223 = vector.extract %slice3A_222[0] : f32 from vector<1xf32>
      %add3A_224 = arith.addf %add3A_221, %squeeze3A_223 : f32
      %slice3A_225 = vector.extract_strided_slice %add3A_213 {offsets = [4], sizes = [1], strides = [1]} : vector<16xf32> to vector<1xf32>
      %squeeze3A_226 = vector.extract %slice3A_225[0] : f32 from vector<1xf32>
      %add3A_227 = arith.addf %add3A_224, %squeeze3A_226 : f32
      %slice3A_228 = vector.extract_strided_slice %add3A_213 {offsets = [5], sizes = [1], strides = [1]} : vector<16xf32> to vector<1xf32>
      %squeeze3A_229 = vector.extract %slice3A_228[0] : f32 from vector<1xf32>
      %add3A_230 = arith.addf %add3A_227, %squeeze3A_229 : f32
      %slice3A_231 = vector.extract_strided_slice %add3A_213 {offsets = [6], sizes = [1], strides = [1]} : vector<16xf32> to vector<1xf32>
      %squeeze3A_232 = vector.extract %slice3A_231[0] : f32 from vector<1xf32>
      %add3A_233 = arith.addf %add3A_230, %squeeze3A_232 : f32
      %slice3A_234 = vector.extract_strided_slice %add3A_213 {offsets = [7], sizes = [1], strides = [1]} : vector<16xf32> to vector<1xf32>
      %squeeze3A_235 = vector.extract %slice3A_234[0] : f32 from vector<1xf32>
      %add3A_236 = arith.addf %add3A_233, %squeeze3A_235 : f32
      %slice3A_237 = vector.extract_strided_slice %add3A_213 {offsets = [8], sizes = [1], strides = [1]} : vector<16xf32> to vector<1xf32>
      %squeeze3A_238 = vector.extract %slice3A_237[0] : f32 from vector<1xf32>
      %add3A_239 = arith.addf %add3A_236, %squeeze3A_238 : f32
      %slice3A_240 = vector.extract_strided_slice %add3A_213 {offsets = [9], sizes = [1], strides = [1]} : vector<16xf32> to vector<1xf32>
      %squeeze3A_241 = vector.extract %slice3A_240[0] : f32 from vector<1xf32>
      %add3A_242 = arith.addf %add3A_239, %squeeze3A_241 : f32
      %slice3A_243 = vector.extract_strided_slice %add3A_213 {offsets = [10], sizes = [1], strides = [1]} : vector<16xf32> to vector<1xf32>
      %squeeze3A_244 = vector.extract %slice3A_243[0] : f32 from vector<1xf32>
      %add3A_245 = arith.addf %add3A_242, %squeeze3A_244 : f32
      %slice3A_246 = vector.extract_strided_slice %add3A_213 {offsets = [11], sizes = [1], strides = [1]} : vector<16xf32> to vector<1xf32>
      %squeeze3A_247 = vector.extract %slice3A_246[0] : f32 from vector<1xf32>
      %add3A_248 = arith.addf %add3A_245, %squeeze3A_247 : f32
      %slice3A_249 = vector.extract_strided_slice %add3A_213 {offsets = [12], sizes = [1], strides = [1]} : vector<16xf32> to vector<1xf32>
      %squeeze3A_250 = vector.extract %slice3A_249[0] : f32 from vector<1xf32>
      %add3A_251 = arith.addf %add3A_248, %squeeze3A_250 : f32
      %slice3A_252 = vector.extract_strided_slice %add3A_213 {offsets = [13], sizes = [1], strides = [1]} : vector<16xf32> to vector<1xf32>
      %squeeze3A_253 = vector.extract %slice3A_252[0] : f32 from vector<1xf32>
      %add3A_254 = arith.addf %add3A_251, %squeeze3A_253 : f32
      %slice3A_255 = vector.extract_strided_slice %add3A_213 {offsets = [14], sizes = [1], strides = [1]} : vector<16xf32> to vector<1xf32>
      %squeeze3A_256 = vector.extract %slice3A_255[0] : f32 from vector<1xf32>
      %add3A_257 = arith.addf %add3A_254, %squeeze3A_256 : f32
      %slice3A_258 = vector.extract_strided_slice %add3A_213 {offsets = [15], sizes = [1], strides = [1]} : vector<16xf32> to vector<1xf32>
      %squeeze3A_259 = vector.extract %slice3A_258[0] : f32 from vector<1xf32>
      %add3A_260 = arith.addf %add3A_257, %squeeze3A_259 : f32
      %eq3A_261 = arith.constant 1 : i32
      %eq3A_262 = vector.broadcast %eq3A_261 : i32 to vector<16xi32>
      %eq3A_263 = arith.cmpi eq, %iota3A, %eq3A_262 : vector<16xi32>
      %broadcast_in_dim3A_264 = vector.broadcast %add3A_260 : f32 to vector<16xf32>
      %select_n3A_265 = arith.select %eq3A_263, %broadcast_in_dim3A_264, %select_n3A_149 : vector<16xi1>, vector<16xf32>
      %add3A_266 = arith.constant 2 : i32
      %add3A_267 = arith.addi %add3A_180, %add3A_266 : i32
      %mul3A_268 = arith.constant 25600 : i32
      %mul3A_269 = arith.muli %add3A, %mul3A_268 : i32
      %mul3A_270 = arith.constant 400 : i32
      %mul3A_271 = arith.muli %add3A_267, %mul3A_270 : i32
      %add3A_272 = arith.addi %mul3A_269, %mul3A_271 : i32
      %jit3A_273 = arith.constant 999600 : i32
      %eq3A_274 = arith.constant 0 : i32
      %eq3A_275 = arith.cmpi eq, %jit3A_273, %eq3A_274 : i32
      %jit3A_276 = arith.constant 1 : i32
      %select_n3A_277 = arith.select %eq3A_275, %jit3A_276, %jit3A_273 : i32
      %rem3A_278 = arith.remsi %add3A_272, %select_n3A_277 : i32
      %ne3A_279 = arith.constant 0 : i32
      %ne3A_280 = arith.cmpi ne, %rem3A_278, %ne3A_279 : i32
      %lt3A_281 = arith.constant 0 : i32
      %lt3A_282 = arith.cmpi slt, %rem3A_278, %lt3A_281 : i32
      %lt3A_283 = arith.constant 0 : i32
      %lt3A_284 = arith.cmpi slt, %select_n3A_277, %lt3A_283 : i32
      %ne3A_285 = arith.xori %lt3A_282, %lt3A_284 : i1
      %and3A_286 = arith.andi %ne3A_285, %ne3A_280 : i1
      %add3A_287 = arith.addi %rem3A_278, %select_n3A_277 : i32
      %select_n3A_288 = arith.select %and3A_286, %add3A_287, %rem3A_278 : i32
      %dma_start3A_289 = arith.constant 0 : i32
      %dma_start3A_290 = tpu.memref_slice %arg3[%select_n3A_288, %dma_start3A_289] : memref<1000000x64xf32, #tpu.memory_space<hbm>> -> memref<400x64xf32, #tpu.memory_space<hbm>>
      %dma_start3A_291 = arith.constant 0 : i32
      %dma_start3A_292 = tpu.memref_slice %arg3[%select_n3A_288, %dma_start3A_291] : memref<1000000x64xf32, #tpu.memory_space<hbm>> -> memref<400x64xf32, #tpu.memory_space<hbm>>
      tpu.enqueue_dma source(%dma_start3A_292 : memref<400x64xf32, #tpu.memory_space<hbm>>) target(%arg8 : memref<400x64xf32, #tpu.memory_space<vmem>>) target_semaphore(%arg15 : memref<!tpu.dma_semaphore, #tpu.memory_space<semaphore_mem>>)
      %mul3A_293 = arith.constant 8 : i32
      %mul3A_294 = arith.muli %scan3A_62, %mul3A_293 : i32
      %add3A_295 = arith.constant 2 : i32
      %add3A_296 = arith.addi %mul3A_294, %add3A_295 : i32
      %dma_wait3A_297 = arith.constant 0 : i32
      %dma_wait3A_298 = arith.constant 0 : i32
      %dma_wait3A_299 = tpu.memref_slice %arg3[%dma_wait3A_297, %dma_wait3A_298] : memref<1000000x64xf32, #tpu.memory_space<hbm>> -> memref<400x64xf32, #tpu.memory_space<hbm>>
      %dma_wait3A_300 = arith.constant 0 : i32
      %dma_wait3A_301 = arith.constant 0 : i32
      %dma_wait3A_302 = tpu.memref_slice %arg3[%dma_wait3A_300, %dma_wait3A_301] : memref<1000000x64xf32, #tpu.memory_space<hbm>> -> memref<400x64xf32, #tpu.memory_space<hbm>>
      tpu.wait_dma2 semaphore(%arg14 : memref<!tpu.dma_semaphore, #tpu.memory_space<semaphore_mem>>) src(%dma_wait3A_302 : memref<400x64xf32, #tpu.memory_space<hbm>>) dst(%arg7 : memref<400x64xf32, #tpu.memory_space<vmem>>)
      %get3A_303 = arith.constant 0 : i32
      %get3A_304 = arith.index_cast %get3A_303 : i32 to index
      %get3A_305 = arith.constant 0 : index
      %get3A_306 = tpu.vector_load %arg7[%get3A_304, %get3A_305] {strides = array<i32>} : memref<400x64xf32, #tpu.memory_space<vmem>>, vector<1x16xf32>,
      %get3A_307 = vector.shape_cast %get3A_306 : vector<1x16xf32> to vector<16xf32>
      %get3A_308 = arith.constant 0 : i32
      %get3A_309 = arith.index_cast %get3A_308 : i32 to index
      %get3A_310 = arith.constant 16 : index
      %get3A_311 = tpu.vector_load %arg7[%get3A_309, %get3A_310] {strides = array<i32>} : memref<400x64xf32, #tpu.memory_space<vmem>>, vector<1x16xf32>,
      %get3A_312 = vector.shape_cast %get3A_311 : vector<1x16xf32> to vector<16xf32>
      %get3A_313 = arith.constant 0 : i32
      %get3A_314 = arith.index_cast %get3A_313 : i32 to index
      %get3A_315 = arith.constant 32 : index
      %get3A_316 = tpu.vector_load %arg7[%get3A_314, %get3A_315] {strides = array<i32>} : memref<400x64xf32, #tpu.memory_space<vmem>>, vector<1x16xf32>,
      %get3A_317 = vector.shape_cast %get3A_316 : vector<1x16xf32> to vector<16xf32>
      %get3A_318 = arith.constant 0 : i32
      %get3A_319 = arith.index_cast %get3A_318 : i32 to index
      %get3A_320 = arith.constant 48 : index
      %get3A_321 = tpu.vector_load %arg7[%get3A_319, %get3A_320] {strides = array<i32>} : memref<400x64xf32, #tpu.memory_space<vmem>>, vector<1x16xf32>,
      %get3A_322 = vector.shape_cast %get3A_321 : vector<1x16xf32> to vector<16xf32>
      %mul3A_323 = arith.mulf %get3A_307, %get3A_2 : vector<16xf32>
      %mul3A_324 = arith.mulf %get3A_312, %get3A_5 : vector<16xf32>
      %add3A_325 = arith.addf %mul3A_323, %mul3A_324 : vector<16xf32>
      %mul3A_326 = arith.mulf %get3A_317, %get3A_8 : vector<16xf32>
      %add3A_327 = arith.addf %add3A_325, %mul3A_326 : vector<16xf32>
      %mul3A_328 = arith.mulf %get3A_322, %get3A_11 : vector<16xf32>
      %add3A_329 = arith.addf %add3A_327, %mul3A_328 : vector<16xf32>
      %slice3A_330 = vector.extract_strided_slice %add3A_329 {offsets = [0], sizes = [1], strides = [1]} : vector<16xf32> to vector<1xf32>
      %squeeze3A_331 = vector.extract %slice3A_330[0] : f32 from vector<1xf32>
      %slice3A_332 = vector.extract_strided_slice %add3A_329 {offsets = [1], sizes = [1], strides = [1]} : vector<16xf32> to vector<1xf32>
      %squeeze3A_333 = vector.extract %slice3A_332[0] : f32 from vector<1xf32>
      %add3A_334 = arith.addf %squeeze3A_331, %squeeze3A_333 : f32
      %slice3A_335 = vector.extract_strided_slice %add3A_329 {offsets = [2], sizes = [1], strides = [1]} : vector<16xf32> to vector<1xf32>
      %squeeze3A_336 = vector.extract %slice3A_335[0] : f32 from vector<1xf32>
      %add3A_337 = arith.addf %add3A_334, %squeeze3A_336 : f32
      %slice3A_338 = vector.extract_strided_slice %add3A_329 {offsets = [3], sizes = [1], strides = [1]} : vector<16xf32> to vector<1xf32>
      %squeeze3A_339 = vector.extract %slice3A_338[0] : f32 from vector<1xf32>
      %add3A_340 = arith.addf %add3A_337, %squeeze3A_339 : f32
      %slice3A_341 = vector.extract_strided_slice %add3A_329 {offsets = [4], sizes = [1], strides = [1]} : vector<16xf32> to vector<1xf32>
      %squeeze3A_342 = vector.extract %slice3A_341[0] : f32 from vector<1xf32>
      %add3A_343 = arith.addf %add3A_340, %squeeze3A_342 : f32
      %slice3A_344 = vector.extract_strided_slice %add3A_329 {offsets = [5], sizes = [1], strides = [1]} : vector<16xf32> to vector<1xf32>
      %squeeze3A_345 = vector.extract %slice3A_344[0] : f32 from vector<1xf32>
      %add3A_346 = arith.addf %add3A_343, %squeeze3A_345 : f32
      %slice3A_347 = vector.extract_strided_slice %add3A_329 {offsets = [6], sizes = [1], strides = [1]} : vector<16xf32> to vector<1xf32>
      %squeeze3A_348 = vector.extract %slice3A_347[0] : f32 from vector<1xf32>
      %add3A_349 = arith.addf %add3A_346, %squeeze3A_348 : f32
      %slice3A_350 = vector.extract_strided_slice %add3A_329 {offsets = [7], sizes = [1], strides = [1]} : vector<16xf32> to vector<1xf32>
      %squeeze3A_351 = vector.extract %slice3A_350[0] : f32 from vector<1xf32>
      %add3A_352 = arith.addf %add3A_349, %squeeze3A_351 : f32
      %slice3A_353 = vector.extract_strided_slice %add3A_329 {offsets = [8], sizes = [1], strides = [1]} : vector<16xf32> to vector<1xf32>
      %squeeze3A_354 = vector.extract %slice3A_353[0] : f32 from vector<1xf32>
      %add3A_355 = arith.addf %add3A_352, %squeeze3A_354 : f32
      %slice3A_356 = vector.extract_strided_slice %add3A_329 {offsets = [9], sizes = [1], strides = [1]} : vector<16xf32> to vector<1xf32>
      %squeeze3A_357 = vector.extract %slice3A_356[0] : f32 from vector<1xf32>
      %add3A_358 = arith.addf %add3A_355, %squeeze3A_357 : f32
      %slice3A_359 = vector.extract_strided_slice %add3A_329 {offsets = [10], sizes = [1], strides = [1]} : vector<16xf32> to vector<1xf32>
      %squeeze3A_360 = vector.extract %slice3A_359[0] : f32 from vector<1xf32>
      %add3A_361 = arith.addf %add3A_358, %squeeze3A_360 : f32
      %slice3A_362 = vector.extract_strided_slice %add3A_329 {offsets = [11], sizes = [1], strides = [1]} : vector<16xf32> to vector<1xf32>
      %squeeze3A_363 = vector.extract %slice3A_362[0] : f32 from vector<1xf32>
      %add3A_364 = arith.addf %add3A_361, %squeeze3A_363 : f32
      %slice3A_365 = vector.extract_strided_slice %add3A_329 {offsets = [12], sizes = [1], strides = [1]} : vector<16xf32> to vector<1xf32>
      %squeeze3A_366 = vector.extract %slice3A_365[0] : f32 from vector<1xf32>
      %add3A_367 = arith.addf %add3A_364, %squeeze3A_366 : f32
      %slice3A_368 = vector.extract_strided_slice %add3A_329 {offsets = [13], sizes = [1], strides = [1]} : vector<16xf32> to vector<1xf32>
      %squeeze3A_369 = vector.extract %slice3A_368[0] : f32 from vector<1xf32>
      %add3A_370 = arith.addf %add3A_367, %squeeze3A_369 : f32
      %slice3A_371 = vector.extract_strided_slice %add3A_329 {offsets = [14], sizes = [1], strides = [1]} : vector<16xf32> to vector<1xf32>
      %squeeze3A_372 = vector.extract %slice3A_371[0] : f32 from vector<1xf32>
      %add3A_373 = arith.addf %add3A_370, %squeeze3A_372 : f32
      %slice3A_374 = vector.extract_strided_slice %add3A_329 {offsets = [15], sizes = [1], strides = [1]} : vector<16xf32> to vector<1xf32>
      %squeeze3A_375 = vector.extract %slice3A_374[0] : f32 from vector<1xf32>
      %add3A_376 = arith.addf %add3A_373, %squeeze3A_375 : f32
      %eq3A_377 = arith.constant 2 : i32
      %eq3A_378 = vector.broadcast %eq3A_377 : i32 to vector<16xi32>
      %eq3A_379 = arith.cmpi eq, %iota3A, %eq3A_378 : vector<16xi32>
      %broadcast_in_dim3A_380 = vector.broadcast %add3A_376 : f32 to vector<16xf32>
      %select_n3A_381 = arith.select %eq3A_379, %broadcast_in_dim3A_380, %select_n3A_265 : vector<16xi1>, vector<16xf32>
      %add3A_382 = arith.constant 2 : i32
      %add3A_383 = arith.addi %add3A_296, %add3A_382 : i32
      %mul3A_384 = arith.constant 25600 : i32
      %mul3A_385 = arith.muli %add3A, %mul3A_384 : i32
      %mul3A_386 = arith.constant 400 : i32
      %mul3A_387 = arith.muli %add3A_383, %mul3A_386 : i32
      %add3A_388 = arith.addi %mul3A_385, %mul3A_387 : i32
      %jit3A_389 = arith.constant 999600 : i32
      %eq3A_390 = arith.constant 0 : i32
      %eq3A_391 = arith.cmpi eq, %jit3A_389, %eq3A_390 : i32
      %jit3A_392 = arith.constant 1 : i32
      %select_n3A_393 = arith.select %eq3A_391, %jit3A_392, %jit3A_389 : i32
      %rem3A_394 = arith.remsi %add3A_388, %select_n3A_393 : i32
      %ne3A_395 = arith.constant 0 : i32
      %ne3A_396 = arith.cmpi ne, %rem3A_394, %ne3A_395 : i32
      %lt3A_397 = arith.constant 0 : i32
      %lt3A_398 = arith.cmpi slt, %rem3A_394, %lt3A_397 : i32
      %lt3A_399 = arith.constant 0 : i32
      %lt3A_400 = arith.cmpi slt, %select_n3A_393, %lt3A_399 : i32
      %ne3A_401 = arith.xori %lt3A_398, %lt3A_400 : i1
      %and3A_402 = arith.andi %ne3A_401, %ne3A_396 : i1
      %add3A_403 = arith.addi %rem3A_394, %select_n3A_393 : i32
      %select_n3A_404 = arith.select %and3A_402, %add3A_403, %rem3A_394 : i32
      %dma_start3A_405 = arith.constant 0 : i32
      %dma_start3A_406 = tpu.memref_slice %arg3[%select_n3A_404, %dma_start3A_405] : memref<1000000x64xf32, #tpu.memory_space<hbm>> -> memref<400x64xf32, #tpu.memory_space<hbm>>
      %dma_start3A_407 = arith.constant 0 : i32
      %dma_start3A_408 = tpu.memref_slice %arg3[%select_n3A_404, %dma_start3A_407] : memref<1000000x64xf32, #tpu.memory_space<hbm>> -> memref<400x64xf32, #tpu.memory_space<hbm>>
      tpu.enqueue_dma source(%dma_start3A_408 : memref<400x64xf32, #tpu.memory_space<hbm>>) target(%arg7 : memref<400x64xf32, #tpu.memory_space<vmem>>) target_semaphore(%arg14 : memref<!tpu.dma_semaphore, #tpu.memory_space<semaphore_mem>>)
      %mul3A_409 = arith.constant 8 : i32
      %mul3A_410 = arith.muli %scan3A_62, %mul3A_409 : i32
      %add3A_411 = arith.constant 3 : i32
      %add3A_412 = arith.addi %mul3A_410, %add3A_411 : i32
      %dma_wait3A_413 = arith.constant 0 : i32
      %dma_wait3A_414 = arith.constant 0 : i32
      %dma_wait3A_415 = tpu.memref_slice %arg3[%dma_wait3A_413, %dma_wait3A_414] : memref<1000000x64xf32, #tpu.memory_space<hbm>> -> memref<400x64xf32, #tpu.memory_space<hbm>>
      %dma_wait3A_416 = arith.constant 0 : i32
      %dma_wait3A_417 = arith.constant 0 : i32
      %dma_wait3A_418 = tpu.memref_slice %arg3[%dma_wait3A_416, %dma_wait3A_417] : memref<1000000x64xf32, #tpu.memory_space<hbm>> -> memref<400x64xf32, #tpu.memory_space<hbm>>
      tpu.wait_dma2 semaphore(%arg15 : memref<!tpu.dma_semaphore, #tpu.memory_space<semaphore_mem>>) src(%dma_wait3A_418 : memref<400x64xf32, #tpu.memory_space<hbm>>) dst(%arg8 : memref<400x64xf32, #tpu.memory_space<vmem>>)
      %get3A_419 = arith.constant 0 : i32
      %get3A_420 = arith.index_cast %get3A_419 : i32 to index
      %get3A_421 = arith.constant 0 : index
      %get3A_422 = tpu.vector_load %arg8[%get3A_420, %get3A_421] {strides = array<i32>} : memref<400x64xf32, #tpu.memory_space<vmem>>, vector<1x16xf32>,
      %get3A_423 = vector.shape_cast %get3A_422 : vector<1x16xf32> to vector<16xf32>
      %get3A_424 = arith.constant 0 : i32
      %get3A_425 = arith.index_cast %get3A_424 : i32 to index
      %get3A_426 = arith.constant 16 : index
      %get3A_427 = tpu.vector_load %arg8[%get3A_425, %get3A_426] {strides = array<i32>} : memref<400x64xf32, #tpu.memory_space<vmem>>, vector<1x16xf32>,
      %get3A_428 = vector.shape_cast %get3A_427 : vector<1x16xf32> to vector<16xf32>
      %get3A_429 = arith.constant 0 : i32
      %get3A_430 = arith.index_cast %get3A_429 : i32 to index
      %get3A_431 = arith.constant 32 : index
      %get3A_432 = tpu.vector_load %arg8[%get3A_430, %get3A_431] {strides = array<i32>} : memref<400x64xf32, #tpu.memory_space<vmem>>, vector<1x16xf32>,
      %get3A_433 = vector.shape_cast %get3A_432 : vector<1x16xf32> to vector<16xf32>
      %get3A_434 = arith.constant 0 : i32
      %get3A_435 = arith.index_cast %get3A_434 : i32 to index
      %get3A_436 = arith.constant 48 : index
      %get3A_437 = tpu.vector_load %arg8[%get3A_435, %get3A_436] {strides = array<i32>} : memref<400x64xf32, #tpu.memory_space<vmem>>, vector<1x16xf32>,
      %get3A_438 = vector.shape_cast %get3A_437 : vector<1x16xf32> to vector<16xf32>
      %mul3A_439 = arith.mulf %get3A_423, %get3A_2 : vector<16xf32>
      %mul3A_440 = arith.mulf %get3A_428, %get3A_5 : vector<16xf32>
      %add3A_441 = arith.addf %mul3A_439, %mul3A_440 : vector<16xf32>
      %mul3A_442 = arith.mulf %get3A_433, %get3A_8 : vector<16xf32>
      %add3A_443 = arith.addf %add3A_441, %mul3A_442 : vector<16xf32>
      %mul3A_444 = arith.mulf %get3A_438, %get3A_11 : vector<16xf32>
      %add3A_445 = arith.addf %add3A_443, %mul3A_444 : vector<16xf32>
      %slice3A_446 = vector.extract_strided_slice %add3A_445 {offsets = [0], sizes = [1], strides = [1]} : vector<16xf32> to vector<1xf32>
      %squeeze3A_447 = vector.extract %slice3A_446[0] : f32 from vector<1xf32>
      %slice3A_448 = vector.extract_strided_slice %add3A_445 {offsets = [1], sizes = [1], strides = [1]} : vector<16xf32> to vector<1xf32>
      %squeeze3A_449 = vector.extract %slice3A_448[0] : f32 from vector<1xf32>
      %add3A_450 = arith.addf %squeeze3A_447, %squeeze3A_449 : f32
      %slice3A_451 = vector.extract_strided_slice %add3A_445 {offsets = [2], sizes = [1], strides = [1]} : vector<16xf32> to vector<1xf32>
      %squeeze3A_452 = vector.extract %slice3A_451[0] : f32 from vector<1xf32>
      %add3A_453 = arith.addf %add3A_450, %squeeze3A_452 : f32
      %slice3A_454 = vector.extract_strided_slice %add3A_445 {offsets = [3], sizes = [1], strides = [1]} : vector<16xf32> to vector<1xf32>
      %squeeze3A_455 = vector.extract %slice3A_454[0] : f32 from vector<1xf32>
      %add3A_456 = arith.addf %add3A_453, %squeeze3A_455 : f32
      %slice3A_457 = vector.extract_strided_slice %add3A_445 {offsets = [4], sizes = [1], strides = [1]} : vector<16xf32> to vector<1xf32>
      %squeeze3A_458 = vector.extract %slice3A_457[0] : f32 from vector<1xf32>
      %add3A_459 = arith.addf %add3A_456, %squeeze3A_458 : f32
      %slice3A_460 = vector.extract_strided_slice %add3A_445 {offsets = [5], sizes = [1], strides = [1]} : vector<16xf32> to vector<1xf32>
      %squeeze3A_461 = vector.extract %slice3A_460[0] : f32 from vector<1xf32>
      %add3A_462 = arith.addf %add3A_459, %squeeze3A_461 : f32
      %slice3A_463 = vector.extract_strided_slice %add3A_445 {offsets = [6], sizes = [1], strides = [1]} : vector<16xf32> to vector<1xf32>
      %squeeze3A_464 = vector.extract %slice3A_463[0] : f32 from vector<1xf32>
      %add3A_465 = arith.addf %add3A_462, %squeeze3A_464 : f32
      %slice3A_466 = vector.extract_strided_slice %add3A_445 {offsets = [7], sizes = [1], strides = [1]} : vector<16xf32> to vector<1xf32>
      %squeeze3A_467 = vector.extract %slice3A_466[0] : f32 from vector<1xf32>
      %add3A_468 = arith.addf %add3A_465, %squeeze3A_467 : f32
      %slice3A_469 = vector.extract_strided_slice %add3A_445 {offsets = [8], sizes = [1], strides = [1]} : vector<16xf32> to vector<1xf32>
      %squeeze3A_470 = vector.extract %slice3A_469[0] : f32 from vector<1xf32>
      %add3A_471 = arith.addf %add3A_468, %squeeze3A_470 : f32
      %slice3A_472 = vector.extract_strided_slice %add3A_445 {offsets = [9], sizes = [1], strides = [1]} : vector<16xf32> to vector<1xf32>
      %squeeze3A_473 = vector.extract %slice3A_472[0] : f32 from vector<1xf32>
      %add3A_474 = arith.addf %add3A_471, %squeeze3A_473 : f32
      %slice3A_475 = vector.extract_strided_slice %add3A_445 {offsets = [10], sizes = [1], strides = [1]} : vector<16xf32> to vector<1xf32>
      %squeeze3A_476 = vector.extract %slice3A_475[0] : f32 from vector<1xf32>
      %add3A_477 = arith.addf %add3A_474, %squeeze3A_476 : f32
      %slice3A_478 = vector.extract_strided_slice %add3A_445 {offsets = [11], sizes = [1], strides = [1]} : vector<16xf32> to vector<1xf32>
      %squeeze3A_479 = vector.extract %slice3A_478[0] : f32 from vector<1xf32>
      %add3A_480 = arith.addf %add3A_477, %squeeze3A_479 : f32
      %slice3A_481 = vector.extract_strided_slice %add3A_445 {offsets = [12], sizes = [1], strides = [1]} : vector<16xf32> to vector<1xf32>
      %squeeze3A_482 = vector.extract %slice3A_481[0] : f32 from vector<1xf32>
      %add3A_483 = arith.addf %add3A_480, %squeeze3A_482 : f32
      %slice3A_484 = vector.extract_strided_slice %add3A_445 {offsets = [13], sizes = [1], strides = [1]} : vector<16xf32> to vector<1xf32>
      %squeeze3A_485 = vector.extract %slice3A_484[0] : f32 from vector<1xf32>
      %add3A_486 = arith.addf %add3A_483, %squeeze3A_485 : f32
      %slice3A_487 = vector.extract_strided_slice %add3A_445 {offsets = [14], sizes = [1], strides = [1]} : vector<16xf32> to vector<1xf32>
      %squeeze3A_488 = vector.extract %slice3A_487[0] : f32 from vector<1xf32>
      %add3A_489 = arith.addf %add3A_486, %squeeze3A_488 : f32
      %slice3A_490 = vector.extract_strided_slice %add3A_445 {offsets = [15], sizes = [1], strides = [1]} : vector<16xf32> to vector<1xf32>
      %squeeze3A_491 = vector.extract %slice3A_490[0] : f32 from vector<1xf32>
      %add3A_492 = arith.addf %add3A_489, %squeeze3A_491 : f32
      %eq3A_493 = arith.constant 3 : i32
      %eq3A_494 = vector.broadcast %eq3A_493 : i32 to vector<16xi32>
      %eq3A_495 = arith.cmpi eq, %iota3A, %eq3A_494 : vector<16xi32>
      %broadcast_in_dim3A_496 = vector.broadcast %add3A_492 : f32 to vector<16xf32>
      %select_n3A_497 = arith.select %eq3A_495, %broadcast_in_dim3A_496, %select_n3A_381 : vector<16xi1>, vector<16xf32>
      %add3A_498 = arith.constant 2 : i32
      %add3A_499 = arith.addi %add3A_412, %add3A_498 : i32
      %mul3A_500 = arith.constant 25600 : i32
      %mul3A_501 = arith.muli %add3A, %mul3A_500 : i32
      %mul3A_502 = arith.constant 400 : i32
      %mul3A_503 = arith.muli %add3A_499, %mul3A_502 : i32
      %add3A_504 = arith.addi %mul3A_501, %mul3A_503 : i32
      %jit3A_505 = arith.constant 999600 : i32
      %eq3A_506 = arith.constant 0 : i32
      %eq3A_507 = arith.cmpi eq, %jit3A_505, %eq3A_506 : i32
      %jit3A_508 = arith.constant 1 : i32
      %select_n3A_509 = arith.select %eq3A_507, %jit3A_508, %jit3A_505 : i32
      %rem3A_510 = arith.remsi %add3A_504, %select_n3A_509 : i32
      %ne3A_511 = arith.constant 0 : i32
      %ne3A_512 = arith.cmpi ne, %rem3A_510, %ne3A_511 : i32
      %lt3A_513 = arith.constant 0 : i32
      %lt3A_514 = arith.cmpi slt, %rem3A_510, %lt3A_513 : i32
      %lt3A_515 = arith.constant 0 : i32
      %lt3A_516 = arith.cmpi slt, %select_n3A_509, %lt3A_515 : i32
      %ne3A_517 = arith.xori %lt3A_514, %lt3A_516 : i1
      %and3A_518 = arith.andi %ne3A_517, %ne3A_512 : i1
      %add3A_519 = arith.addi %rem3A_510, %select_n3A_509 : i32
      %select_n3A_520 = arith.select %and3A_518, %add3A_519, %rem3A_510 : i32
      %dma_start3A_521 = arith.constant 0 : i32
      %dma_start3A_522 = tpu.memref_slice %arg3[%select_n3A_520, %dma_start3A_521] : memref<1000000x64xf32, #tpu.memory_space<hbm>> -> memref<400x64xf32, #tpu.memory_space<hbm>>
      %dma_start3A_523 = arith.constant 0 : i32
      %dma_start3A_524 = tpu.memref_slice %arg3[%select_n3A_520, %dma_start3A_523] : memref<1000000x64xf32, #tpu.memory_space<hbm>> -> memref<400x64xf32, #tpu.memory_space<hbm>>
      tpu.enqueue_dma source(%dma_start3A_524 : memref<400x64xf32, #tpu.memory_space<hbm>>) target(%arg8 : memref<400x64xf32, #tpu.memory_space<vmem>>) target_semaphore(%arg15 : memref<!tpu.dma_semaphore, #tpu.memory_space<semaphore_mem>>)
      %mul3A_525 = arith.constant 8 : i32
      %mul3A_526 = arith.muli %scan3A_62, %mul3A_525 : i32
      %add3A_527 = arith.constant 4 : i32
      %add3A_528 = arith.addi %mul3A_526, %add3A_527 : i32
      %dma_wait3A_529 = arith.constant 0 : i32
      %dma_wait3A_530 = arith.constant 0 : i32
      %dma_wait3A_531 = tpu.memref_slice %arg3[%dma_wait3A_529, %dma_wait3A_530] : memref<1000000x64xf32, #tpu.memory_space<hbm>> -> memref<400x64xf32, #tpu.memory_space<hbm>>
      %dma_wait3A_532 = arith.constant 0 : i32
      %dma_wait3A_533 = arith.constant 0 : i32
      %dma_wait3A_534 = tpu.memref_slice %arg3[%dma_wait3A_532, %dma_wait3A_533] : memref<1000000x64xf32, #tpu.memory_space<hbm>> -> memref<400x64xf32, #tpu.memory_space<hbm>>
      tpu.wait_dma2 semaphore(%arg14 : memref<!tpu.dma_semaphore, #tpu.memory_space<semaphore_mem>>) src(%dma_wait3A_534 : memref<400x64xf32, #tpu.memory_space<hbm>>) dst(%arg7 : memref<400x64xf32, #tpu.memory_space<vmem>>)
      %get3A_535 = arith.constant 0 : i32
      %get3A_536 = arith.index_cast %get3A_535 : i32 to index
      %get3A_537 = arith.constant 0 : index
      %get3A_538 = tpu.vector_load %arg7[%get3A_536, %get3A_537] {strides = array<i32>} : memref<400x64xf32, #tpu.memory_space<vmem>>, vector<1x16xf32>,
      %get3A_539 = vector.shape_cast %get3A_538 : vector<1x16xf32> to vector<16xf32>
      %get3A_540 = arith.constant 0 : i32
      %get3A_541 = arith.index_cast %get3A_540 : i32 to index
      %get3A_542 = arith.constant 16 : index
      %get3A_543 = tpu.vector_load %arg7[%get3A_541, %get3A_542] {strides = array<i32>} : memref<400x64xf32, #tpu.memory_space<vmem>>, vector<1x16xf32>,
      %get3A_544 = vector.shape_cast %get3A_543 : vector<1x16xf32> to vector<16xf32>
      %get3A_545 = arith.constant 0 : i32
      %get3A_546 = arith.index_cast %get3A_545 : i32 to index
      %get3A_547 = arith.constant 32 : index
      %get3A_548 = tpu.vector_load %arg7[%get3A_546, %get3A_547] {strides = array<i32>} : memref<400x64xf32, #tpu.memory_space<vmem>>, vector<1x16xf32>,
      %get3A_549 = vector.shape_cast %get3A_548 : vector<1x16xf32> to vector<16xf32>
      %get3A_550 = arith.constant 0 : i32
      %get3A_551 = arith.index_cast %get3A_550 : i32 to index
      %get3A_552 = arith.constant 48 : index
      %get3A_553 = tpu.vector_load %arg7[%get3A_551, %get3A_552] {strides = array<i32>} : memref<400x64xf32, #tpu.memory_space<vmem>>, vector<1x16xf32>,
      %get3A_554 = vector.shape_cast %get3A_553 : vector<1x16xf32> to vector<16xf32>
      %mul3A_555 = arith.mulf %get3A_539, %get3A_2 : vector<16xf32>
      %mul3A_556 = arith.mulf %get3A_544, %get3A_5 : vector<16xf32>
      %add3A_557 = arith.addf %mul3A_555, %mul3A_556 : vector<16xf32>
      %mul3A_558 = arith.mulf %get3A_549, %get3A_8 : vector<16xf32>
      %add3A_559 = arith.addf %add3A_557, %mul3A_558 : vector<16xf32>
      %mul3A_560 = arith.mulf %get3A_554, %get3A_11 : vector<16xf32>
      %add3A_561 = arith.addf %add3A_559, %mul3A_560 : vector<16xf32>
      %slice3A_562 = vector.extract_strided_slice %add3A_561 {offsets = [0], sizes = [1], strides = [1]} : vector<16xf32> to vector<1xf32>
      %squeeze3A_563 = vector.extract %slice3A_562[0] : f32 from vector<1xf32>
      %slice3A_564 = vector.extract_strided_slice %add3A_561 {offsets = [1], sizes = [1], strides = [1]} : vector<16xf32> to vector<1xf32>
      %squeeze3A_565 = vector.extract %slice3A_564[0] : f32 from vector<1xf32>
      %add3A_566 = arith.addf %squeeze3A_563, %squeeze3A_565 : f32
      %slice3A_567 = vector.extract_strided_slice %add3A_561 {offsets = [2], sizes = [1], strides = [1]} : vector<16xf32> to vector<1xf32>
      %squeeze3A_568 = vector.extract %slice3A_567[0] : f32 from vector<1xf32>
      %add3A_569 = arith.addf %add3A_566, %squeeze3A_568 : f32
      %slice3A_570 = vector.extract_strided_slice %add3A_561 {offsets = [3], sizes = [1], strides = [1]} : vector<16xf32> to vector<1xf32>
      %squeeze3A_571 = vector.extract %slice3A_570[0] : f32 from vector<1xf32>
      %add3A_572 = arith.addf %add3A_569, %squeeze3A_571 : f32
      %slice3A_573 = vector.extract_strided_slice %add3A_561 {offsets = [4], sizes = [1], strides = [1]} : vector<16xf32> to vector<1xf32>
      %squeeze3A_574 = vector.extract %slice3A_573[0] : f32 from vector<1xf32>
      %add3A_575 = arith.addf %add3A_572, %squeeze3A_574 : f32
      %slice3A_576 = vector.extract_strided_slice %add3A_561 {offsets = [5], sizes = [1], strides = [1]} : vector<16xf32> to vector<1xf32>
      %squeeze3A_577 = vector.extract %slice3A_576[0] : f32 from vector<1xf32>
      %add3A_578 = arith.addf %add3A_575, %squeeze3A_577 : f32
      %slice3A_579 = vector.extract_strided_slice %add3A_561 {offsets = [6], sizes = [1], strides = [1]} : vector<16xf32> to vector<1xf32>
      %squeeze3A_580 = vector.extract %slice3A_579[0] : f32 from vector<1xf32>
      %add3A_581 = arith.addf %add3A_578, %squeeze3A_580 : f32
      %slice3A_582 = vector.extract_strided_slice %add3A_561 {offsets = [7], sizes = [1], strides = [1]} : vector<16xf32> to vector<1xf32>
      %squeeze3A_583 = vector.extract %slice3A_582[0] : f32 from vector<1xf32>
      %add3A_584 = arith.addf %add3A_581, %squeeze3A_583 : f32
      %slice3A_585 = vector.extract_strided_slice %add3A_561 {offsets = [8], sizes = [1], strides = [1]} : vector<16xf32> to vector<1xf32>
      %squeeze3A_586 = vector.extract %slice3A_585[0] : f32 from vector<1xf32>
      %add3A_587 = arith.addf %add3A_584, %squeeze3A_586 : f32
      %slice3A_588 = vector.extract_strided_slice %add3A_561 {offsets = [9], sizes = [1], strides = [1]} : vector<16xf32> to vector<1xf32>
      %squeeze3A_589 = vector.extract %slice3A_588[0] : f32 from vector<1xf32>
      %add3A_590 = arith.addf %add3A_587, %squeeze3A_589 : f32
      %slice3A_591 = vector.extract_strided_slice %add3A_561 {offsets = [10], sizes = [1], strides = [1]} : vector<16xf32> to vector<1xf32>
      %squeeze3A_592 = vector.extract %slice3A_591[0] : f32 from vector<1xf32>
      %add3A_593 = arith.addf %add3A_590, %squeeze3A_592 : f32
      %slice3A_594 = vector.extract_strided_slice %add3A_561 {offsets = [11], sizes = [1], strides = [1]} : vector<16xf32> to vector<1xf32>
      %squeeze3A_595 = vector.extract %slice3A_594[0] : f32 from vector<1xf32>
      %add3A_596 = arith.addf %add3A_593, %squeeze3A_595 : f32
      %slice3A_597 = vector.extract_strided_slice %add3A_561 {offsets = [12], sizes = [1], strides = [1]} : vector<16xf32> to vector<1xf32>
      %squeeze3A_598 = vector.extract %slice3A_597[0] : f32 from vector<1xf32>
      %add3A_599 = arith.addf %add3A_596, %squeeze3A_598 : f32
      %slice3A_600 = vector.extract_strided_slice %add3A_561 {offsets = [13], sizes = [1], strides = [1]} : vector<16xf32> to vector<1xf32>
      %squeeze3A_601 = vector.extract %slice3A_600[0] : f32 from vector<1xf32>
      %add3A_602 = arith.addf %add3A_599, %squeeze3A_601 : f32
      %slice3A_603 = vector.extract_strided_slice %add3A_561 {offsets = [14], sizes = [1], strides = [1]} : vector<16xf32> to vector<1xf32>
      %squeeze3A_604 = vector.extract %slice3A_603[0] : f32 from vector<1xf32>
      %add3A_605 = arith.addf %add3A_602, %squeeze3A_604 : f32
      %slice3A_606 = vector.extract_strided_slice %add3A_561 {offsets = [15], sizes = [1], strides = [1]} : vector<16xf32> to vector<1xf32>
      %squeeze3A_607 = vector.extract %slice3A_606[0] : f32 from vector<1xf32>
      %add3A_608 = arith.addf %add3A_605, %squeeze3A_607 : f32
      %eq3A_609 = arith.constant 4 : i32
      %eq3A_610 = vector.broadcast %eq3A_609 : i32 to vector<16xi32>
      %eq3A_611 = arith.cmpi eq, %iota3A, %eq3A_610 : vector<16xi32>
      %broadcast_in_dim3A_612 = vector.broadcast %add3A_608 : f32 to vector<16xf32>
      %select_n3A_613 = arith.select %eq3A_611, %broadcast_in_dim3A_612, %select_n3A_497 : vector<16xi1>, vector<16xf32>
      %add3A_614 = arith.constant 2 : i32
      %add3A_615 = arith.addi %add3A_528, %add3A_614 : i32
      %mul3A_616 = arith.constant 25600 : i32
      %mul3A_617 = arith.muli %add3A, %mul3A_616 : i32
      %mul3A_618 = arith.constant 400 : i32
      %mul3A_619 = arith.muli %add3A_615, %mul3A_618 : i32
      %add3A_620 = arith.addi %mul3A_617, %mul3A_619 : i32
      %jit3A_621 = arith.constant 999600 : i32
      %eq3A_622 = arith.constant 0 : i32
      %eq3A_623 = arith.cmpi eq, %jit3A_621, %eq3A_622 : i32
      %jit3A_624 = arith.constant 1 : i32
      %select_n3A_625 = arith.select %eq3A_623, %jit3A_624, %jit3A_621 : i32
      %rem3A_626 = arith.remsi %add3A_620, %select_n3A_625 : i32
      %ne3A_627 = arith.constant 0 : i32
      %ne3A_628 = arith.cmpi ne, %rem3A_626, %ne3A_627 : i32
      %lt3A_629 = arith.constant 0 : i32
      %lt3A_630 = arith.cmpi slt, %rem3A_626, %lt3A_629 : i32
      %lt3A_631 = arith.constant 0 : i32
      %lt3A_632 = arith.cmpi slt, %select_n3A_625, %lt3A_631 : i32
      %ne3A_633 = arith.xori %lt3A_630, %lt3A_632 : i1
      %and3A_634 = arith.andi %ne3A_633, %ne3A_628 : i1
      %add3A_635 = arith.addi %rem3A_626, %select_n3A_625 : i32
      %select_n3A_636 = arith.select %and3A_634, %add3A_635, %rem3A_626 : i32
      %dma_start3A_637 = arith.constant 0 : i32
      %dma_start3A_638 = tpu.memref_slice %arg3[%select_n3A_636, %dma_start3A_637] : memref<1000000x64xf32, #tpu.memory_space<hbm>> -> memref<400x64xf32, #tpu.memory_space<hbm>>
      %dma_start3A_639 = arith.constant 0 : i32
      %dma_start3A_640 = tpu.memref_slice %arg3[%select_n3A_636, %dma_start3A_639] : memref<1000000x64xf32, #tpu.memory_space<hbm>> -> memref<400x64xf32, #tpu.memory_space<hbm>>
      tpu.enqueue_dma source(%dma_start3A_640 : memref<400x64xf32, #tpu.memory_space<hbm>>) target(%arg7 : memref<400x64xf32, #tpu.memory_space<vmem>>) target_semaphore(%arg14 : memref<!tpu.dma_semaphore, #tpu.memory_space<semaphore_mem>>)
      %mul3A_641 = arith.constant 8 : i32
      %mul3A_642 = arith.muli %scan3A_62, %mul3A_641 : i32
      %add3A_643 = arith.constant 5 : i32
      %add3A_644 = arith.addi %mul3A_642, %add3A_643 : i32
      %dma_wait3A_645 = arith.constant 0 : i32
      %dma_wait3A_646 = arith.constant 0 : i32
      %dma_wait3A_647 = tpu.memref_slice %arg3[%dma_wait3A_645, %dma_wait3A_646] : memref<1000000x64xf32, #tpu.memory_space<hbm>> -> memref<400x64xf32, #tpu.memory_space<hbm>>
      %dma_wait3A_648 = arith.constant 0 : i32
      %dma_wait3A_649 = arith.constant 0 : i32
      %dma_wait3A_650 = tpu.memref_slice %arg3[%dma_wait3A_648, %dma_wait3A_649] : memref<1000000x64xf32, #tpu.memory_space<hbm>> -> memref<400x64xf32, #tpu.memory_space<hbm>>
      tpu.wait_dma2 semaphore(%arg15 : memref<!tpu.dma_semaphore, #tpu.memory_space<semaphore_mem>>) src(%dma_wait3A_650 : memref<400x64xf32, #tpu.memory_space<hbm>>) dst(%arg8 : memref<400x64xf32, #tpu.memory_space<vmem>>)
      %get3A_651 = arith.constant 0 : i32
      %get3A_652 = arith.index_cast %get3A_651 : i32 to index
      %get3A_653 = arith.constant 0 : index
      %get3A_654 = tpu.vector_load %arg8[%get3A_652, %get3A_653] {strides = array<i32>} : memref<400x64xf32, #tpu.memory_space<vmem>>, vector<1x16xf32>,
      %get3A_655 = vector.shape_cast %get3A_654 : vector<1x16xf32> to vector<16xf32>
      %get3A_656 = arith.constant 0 : i32
      %get3A_657 = arith.index_cast %get3A_656 : i32 to index
      %get3A_658 = arith.constant 16 : index
      %get3A_659 = tpu.vector_load %arg8[%get3A_657, %get3A_658] {strides = array<i32>} : memref<400x64xf32, #tpu.memory_space<vmem>>, vector<1x16xf32>,
      %get3A_660 = vector.shape_cast %get3A_659 : vector<1x16xf32> to vector<16xf32>
      %get3A_661 = arith.constant 0 : i32
      %get3A_662 = arith.index_cast %get3A_661 : i32 to index
      %get3A_663 = arith.constant 32 : index
      %get3A_664 = tpu.vector_load %arg8[%get3A_662, %get3A_663] {strides = array<i32>} : memref<400x64xf32, #tpu.memory_space<vmem>>, vector<1x16xf32>,
      %get3A_665 = vector.shape_cast %get3A_664 : vector<1x16xf32> to vector<16xf32>
      %get3A_666 = arith.constant 0 : i32
      %get3A_667 = arith.index_cast %get3A_666 : i32 to index
      %get3A_668 = arith.constant 48 : index
      %get3A_669 = tpu.vector_load %arg8[%get3A_667, %get3A_668] {strides = array<i32>} : memref<400x64xf32, #tpu.memory_space<vmem>>, vector<1x16xf32>,
      %get3A_670 = vector.shape_cast %get3A_669 : vector<1x16xf32> to vector<16xf32>
      %mul3A_671 = arith.mulf %get3A_655, %get3A_2 : vector<16xf32>
      %mul3A_672 = arith.mulf %get3A_660, %get3A_5 : vector<16xf32>
      %add3A_673 = arith.addf %mul3A_671, %mul3A_672 : vector<16xf32>
      %mul3A_674 = arith.mulf %get3A_665, %get3A_8 : vector<16xf32>
      %add3A_675 = arith.addf %add3A_673, %mul3A_674 : vector<16xf32>
      %mul3A_676 = arith.mulf %get3A_670, %get3A_11 : vector<16xf32>
      %add3A_677 = arith.addf %add3A_675, %mul3A_676 : vector<16xf32>
      %slice3A_678 = vector.extract_strided_slice %add3A_677 {offsets = [0], sizes = [1], strides = [1]} : vector<16xf32> to vector<1xf32>
      %squeeze3A_679 = vector.extract %slice3A_678[0] : f32 from vector<1xf32>
      %slice3A_680 = vector.extract_strided_slice %add3A_677 {offsets = [1], sizes = [1], strides = [1]} : vector<16xf32> to vector<1xf32>
      %squeeze3A_681 = vector.extract %slice3A_680[0] : f32 from vector<1xf32>
      %add3A_682 = arith.addf %squeeze3A_679, %squeeze3A_681 : f32
      %slice3A_683 = vector.extract_strided_slice %add3A_677 {offsets = [2], sizes = [1], strides = [1]} : vector<16xf32> to vector<1xf32>
      %squeeze3A_684 = vector.extract %slice3A_683[0] : f32 from vector<1xf32>
      %add3A_685 = arith.addf %add3A_682, %squeeze3A_684 : f32
      %slice3A_686 = vector.extract_strided_slice %add3A_677 {offsets = [3], sizes = [1], strides = [1]} : vector<16xf32> to vector<1xf32>
      %squeeze3A_687 = vector.extract %slice3A_686[0] : f32 from vector<1xf32>
      %add3A_688 = arith.addf %add3A_685, %squeeze3A_687 : f32
      %slice3A_689 = vector.extract_strided_slice %add3A_677 {offsets = [4], sizes = [1], strides = [1]} : vector<16xf32> to vector<1xf32>
      %squeeze3A_690 = vector.extract %slice3A_689[0] : f32 from vector<1xf32>
      %add3A_691 = arith.addf %add3A_688, %squeeze3A_690 : f32
      %slice3A_692 = vector.extract_strided_slice %add3A_677 {offsets = [5], sizes = [1], strides = [1]} : vector<16xf32> to vector<1xf32>
      %squeeze3A_693 = vector.extract %slice3A_692[0] : f32 from vector<1xf32>
      %add3A_694 = arith.addf %add3A_691, %squeeze3A_693 : f32
      %slice3A_695 = vector.extract_strided_slice %add3A_677 {offsets = [6], sizes = [1], strides = [1]} : vector<16xf32> to vector<1xf32>
      %squeeze3A_696 = vector.extract %slice3A_695[0] : f32 from vector<1xf32>
      %add3A_697 = arith.addf %add3A_694, %squeeze3A_696 : f32
      %slice3A_698 = vector.extract_strided_slice %add3A_677 {offsets = [7], sizes = [1], strides = [1]} : vector<16xf32> to vector<1xf32>
      %squeeze3A_699 = vector.extract %slice3A_698[0] : f32 from vector<1xf32>
      %add3A_700 = arith.addf %add3A_697, %squeeze3A_699 : f32
      %slice3A_701 = vector.extract_strided_slice %add3A_677 {offsets = [8], sizes = [1], strides = [1]} : vector<16xf32> to vector<1xf32>
      %squeeze3A_702 = vector.extract %slice3A_701[0] : f32 from vector<1xf32>
      %add3A_703 = arith.addf %add3A_700, %squeeze3A_702 : f32
      %slice3A_704 = vector.extract_strided_slice %add3A_677 {offsets = [9], sizes = [1], strides = [1]} : vector<16xf32> to vector<1xf32>
      %squeeze3A_705 = vector.extract %slice3A_704[0] : f32 from vector<1xf32>
      %add3A_706 = arith.addf %add3A_703, %squeeze3A_705 : f32
      %slice3A_707 = vector.extract_strided_slice %add3A_677 {offsets = [10], sizes = [1], strides = [1]} : vector<16xf32> to vector<1xf32>
      %squeeze3A_708 = vector.extract %slice3A_707[0] : f32 from vector<1xf32>
      %add3A_709 = arith.addf %add3A_706, %squeeze3A_708 : f32
      %slice3A_710 = vector.extract_strided_slice %add3A_677 {offsets = [11], sizes = [1], strides = [1]} : vector<16xf32> to vector<1xf32>
      %squeeze3A_711 = vector.extract %slice3A_710[0] : f32 from vector<1xf32>
      %add3A_712 = arith.addf %add3A_709, %squeeze3A_711 : f32
      %slice3A_713 = vector.extract_strided_slice %add3A_677 {offsets = [12], sizes = [1], strides = [1]} : vector<16xf32> to vector<1xf32>
      %squeeze3A_714 = vector.extract %slice3A_713[0] : f32 from vector<1xf32>
      %add3A_715 = arith.addf %add3A_712, %squeeze3A_714 : f32
      %slice3A_716 = vector.extract_strided_slice %add3A_677 {offsets = [13], sizes = [1], strides = [1]} : vector<16xf32> to vector<1xf32>
      %squeeze3A_717 = vector.extract %slice3A_716[0] : f32 from vector<1xf32>
      %add3A_718 = arith.addf %add3A_715, %squeeze3A_717 : f32
      %slice3A_719 = vector.extract_strided_slice %add3A_677 {offsets = [14], sizes = [1], strides = [1]} : vector<16xf32> to vector<1xf32>
      %squeeze3A_720 = vector.extract %slice3A_719[0] : f32 from vector<1xf32>
      %add3A_721 = arith.addf %add3A_718, %squeeze3A_720 : f32
      %slice3A_722 = vector.extract_strided_slice %add3A_677 {offsets = [15], sizes = [1], strides = [1]} : vector<16xf32> to vector<1xf32>
      %squeeze3A_723 = vector.extract %slice3A_722[0] : f32 from vector<1xf32>
      %add3A_724 = arith.addf %add3A_721, %squeeze3A_723 : f32
      %eq3A_725 = arith.constant 5 : i32
      %eq3A_726 = vector.broadcast %eq3A_725 : i32 to vector<16xi32>
      %eq3A_727 = arith.cmpi eq, %iota3A, %eq3A_726 : vector<16xi32>
      %broadcast_in_dim3A_728 = vector.broadcast %add3A_724 : f32 to vector<16xf32>
      %select_n3A_729 = arith.select %eq3A_727, %broadcast_in_dim3A_728, %select_n3A_613 : vector<16xi1>, vector<16xf32>
      %add3A_730 = arith.constant 2 : i32
      %add3A_731 = arith.addi %add3A_644, %add3A_730 : i32
      %mul3A_732 = arith.constant 25600 : i32
      %mul3A_733 = arith.muli %add3A, %mul3A_732 : i32
      %mul3A_734 = arith.constant 400 : i32
      %mul3A_735 = arith.muli %add3A_731, %mul3A_734 : i32
      %add3A_736 = arith.addi %mul3A_733, %mul3A_735 : i32
      %jit3A_737 = arith.constant 999600 : i32
      %eq3A_738 = arith.constant 0 : i32
      %eq3A_739 = arith.cmpi eq, %jit3A_737, %eq3A_738 : i32
      %jit3A_740 = arith.constant 1 : i32
      %select_n3A_741 = arith.select %eq3A_739, %jit3A_740, %jit3A_737 : i32
      %rem3A_742 = arith.remsi %add3A_736, %select_n3A_741 : i32
      %ne3A_743 = arith.constant 0 : i32
      %ne3A_744 = arith.cmpi ne, %rem3A_742, %ne3A_743 : i32
      %lt3A_745 = arith.constant 0 : i32
      %lt3A_746 = arith.cmpi slt, %rem3A_742, %lt3A_745 : i32
      %lt3A_747 = arith.constant 0 : i32
      %lt3A_748 = arith.cmpi slt, %select_n3A_741, %lt3A_747 : i32
      %ne3A_749 = arith.xori %lt3A_746, %lt3A_748 : i1
      %and3A_750 = arith.andi %ne3A_749, %ne3A_744 : i1
      %add3A_751 = arith.addi %rem3A_742, %select_n3A_741 : i32
      %select_n3A_752 = arith.select %and3A_750, %add3A_751, %rem3A_742 : i32
      %dma_start3A_753 = arith.constant 0 : i32
      %dma_start3A_754 = tpu.memref_slice %arg3[%select_n3A_752, %dma_start3A_753] : memref<1000000x64xf32, #tpu.memory_space<hbm>> -> memref<400x64xf32, #tpu.memory_space<hbm>>
      %dma_start3A_755 = arith.constant 0 : i32
      %dma_start3A_756 = tpu.memref_slice %arg3[%select_n3A_752, %dma_start3A_755] : memref<1000000x64xf32, #tpu.memory_space<hbm>> -> memref<400x64xf32, #tpu.memory_space<hbm>>
      tpu.enqueue_dma source(%dma_start3A_756 : memref<400x64xf32, #tpu.memory_space<hbm>>) target(%arg8 : memref<400x64xf32, #tpu.memory_space<vmem>>) target_semaphore(%arg15 : memref<!tpu.dma_semaphore, #tpu.memory_space<semaphore_mem>>)
      %mul3A_757 = arith.constant 8 : i32
      %mul3A_758 = arith.muli %scan3A_62, %mul3A_757 : i32
      %add3A_759 = arith.constant 6 : i32
      %add3A_760 = arith.addi %mul3A_758, %add3A_759 : i32
      %dma_wait3A_761 = arith.constant 0 : i32
      %dma_wait3A_762 = arith.constant 0 : i32
      %dma_wait3A_763 = tpu.memref_slice %arg3[%dma_wait3A_761, %dma_wait3A_762] : memref<1000000x64xf32, #tpu.memory_space<hbm>> -> memref<400x64xf32, #tpu.memory_space<hbm>>
      %dma_wait3A_764 = arith.constant 0 : i32
      %dma_wait3A_765 = arith.constant 0 : i32
      %dma_wait3A_766 = tpu.memref_slice %arg3[%dma_wait3A_764, %dma_wait3A_765] : memref<1000000x64xf32, #tpu.memory_space<hbm>> -> memref<400x64xf32, #tpu.memory_space<hbm>>
      tpu.wait_dma2 semaphore(%arg14 : memref<!tpu.dma_semaphore, #tpu.memory_space<semaphore_mem>>) src(%dma_wait3A_766 : memref<400x64xf32, #tpu.memory_space<hbm>>) dst(%arg7 : memref<400x64xf32, #tpu.memory_space<vmem>>)
      %get3A_767 = arith.constant 0 : i32
      %get3A_768 = arith.index_cast %get3A_767 : i32 to index
      %get3A_769 = arith.constant 0 : index
      %get3A_770 = tpu.vector_load %arg7[%get3A_768, %get3A_769] {strides = array<i32>} : memref<400x64xf32, #tpu.memory_space<vmem>>, vector<1x16xf32>,
      %get3A_771 = vector.shape_cast %get3A_770 : vector<1x16xf32> to vector<16xf32>
      %get3A_772 = arith.constant 0 : i32
      %get3A_773 = arith.index_cast %get3A_772 : i32 to index
      %get3A_774 = arith.constant 16 : index
      %get3A_775 = tpu.vector_load %arg7[%get3A_773, %get3A_774] {strides = array<i32>} : memref<400x64xf32, #tpu.memory_space<vmem>>, vector<1x16xf32>,
      %get3A_776 = vector.shape_cast %get3A_775 : vector<1x16xf32> to vector<16xf32>
      %get3A_777 = arith.constant 0 : i32
      %get3A_778 = arith.index_cast %get3A_777 : i32 to index
      %get3A_779 = arith.constant 32 : index
      %get3A_780 = tpu.vector_load %arg7[%get3A_778, %get3A_779] {strides = array<i32>} : memref<400x64xf32, #tpu.memory_space<vmem>>, vector<1x16xf32>,
      %get3A_781 = vector.shape_cast %get3A_780 : vector<1x16xf32> to vector<16xf32>
      %get3A_782 = arith.constant 0 : i32
      %get3A_783 = arith.index_cast %get3A_782 : i32 to index
      %get3A_784 = arith.constant 48 : index
      %get3A_785 = tpu.vector_load %arg7[%get3A_783, %get3A_784] {strides = array<i32>} : memref<400x64xf32, #tpu.memory_space<vmem>>, vector<1x16xf32>,
      %get3A_786 = vector.shape_cast %get3A_785 : vector<1x16xf32> to vector<16xf32>
      %mul3A_787 = arith.mulf %get3A_771, %get3A_2 : vector<16xf32>
      %mul3A_788 = arith.mulf %get3A_776, %get3A_5 : vector<16xf32>
      %add3A_789 = arith.addf %mul3A_787, %mul3A_788 : vector<16xf32>
      %mul3A_790 = arith.mulf %get3A_781, %get3A_8 : vector<16xf32>
      %add3A_791 = arith.addf %add3A_789, %mul3A_790 : vector<16xf32>
      %mul3A_792 = arith.mulf %get3A_786, %get3A_11 : vector<16xf32>
      %add3A_793 = arith.addf %add3A_791, %mul3A_792 : vector<16xf32>
      %slice3A_794 = vector.extract_strided_slice %add3A_793 {offsets = [0], sizes = [1], strides = [1]} : vector<16xf32> to vector<1xf32>
      %squeeze3A_795 = vector.extract %slice3A_794[0] : f32 from vector<1xf32>
      %slice3A_796 = vector.extract_strided_slice %add3A_793 {offsets = [1], sizes = [1], strides = [1]} : vector<16xf32> to vector<1xf32>
      %squeeze3A_797 = vector.extract %slice3A_796[0] : f32 from vector<1xf32>
      %add3A_798 = arith.addf %squeeze3A_795, %squeeze3A_797 : f32
      %slice3A_799 = vector.extract_strided_slice %add3A_793 {offsets = [2], sizes = [1], strides = [1]} : vector<16xf32> to vector<1xf32>
      %squeeze3A_800 = vector.extract %slice3A_799[0] : f32 from vector<1xf32>
      %add3A_801 = arith.addf %add3A_798, %squeeze3A_800 : f32
      %slice3A_802 = vector.extract_strided_slice %add3A_793 {offsets = [3], sizes = [1], strides = [1]} : vector<16xf32> to vector<1xf32>
      %squeeze3A_803 = vector.extract %slice3A_802[0] : f32 from vector<1xf32>
      %add3A_804 = arith.addf %add3A_801, %squeeze3A_803 : f32
      %slice3A_805 = vector.extract_strided_slice %add3A_793 {offsets = [4], sizes = [1], strides = [1]} : vector<16xf32> to vector<1xf32>
      %squeeze3A_806 = vector.extract %slice3A_805[0] : f32 from vector<1xf32>
      %add3A_807 = arith.addf %add3A_804, %squeeze3A_806 : f32
      %slice3A_808 = vector.extract_strided_slice %add3A_793 {offsets = [5], sizes = [1], strides = [1]} : vector<16xf32> to vector<1xf32>
      %squeeze3A_809 = vector.extract %slice3A_808[0] : f32 from vector<1xf32>
      %add3A_810 = arith.addf %add3A_807, %squeeze3A_809 : f32
      %slice3A_811 = vector.extract_strided_slice %add3A_793 {offsets = [6], sizes = [1], strides = [1]} : vector<16xf32> to vector<1xf32>
      %squeeze3A_812 = vector.extract %slice3A_811[0] : f32 from vector<1xf32>
      %add3A_813 = arith.addf %add3A_810, %squeeze3A_812 : f32
      %slice3A_814 = vector.extract_strided_slice %add3A_793 {offsets = [7], sizes = [1], strides = [1]} : vector<16xf32> to vector<1xf32>
      %squeeze3A_815 = vector.extract %slice3A_814[0] : f32 from vector<1xf32>
      %add3A_816 = arith.addf %add3A_813, %squeeze3A_815 : f32
      %slice3A_817 = vector.extract_strided_slice %add3A_793 {offsets = [8], sizes = [1], strides = [1]} : vector<16xf32> to vector<1xf32>
      %squeeze3A_818 = vector.extract %slice3A_817[0] : f32 from vector<1xf32>
      %add3A_819 = arith.addf %add3A_816, %squeeze3A_818 : f32
      %slice3A_820 = vector.extract_strided_slice %add3A_793 {offsets = [9], sizes = [1], strides = [1]} : vector<16xf32> to vector<1xf32>
      %squeeze3A_821 = vector.extract %slice3A_820[0] : f32 from vector<1xf32>
      %add3A_822 = arith.addf %add3A_819, %squeeze3A_821 : f32
      %slice3A_823 = vector.extract_strided_slice %add3A_793 {offsets = [10], sizes = [1], strides = [1]} : vector<16xf32> to vector<1xf32>
      %squeeze3A_824 = vector.extract %slice3A_823[0] : f32 from vector<1xf32>
      %add3A_825 = arith.addf %add3A_822, %squeeze3A_824 : f32
      %slice3A_826 = vector.extract_strided_slice %add3A_793 {offsets = [11], sizes = [1], strides = [1]} : vector<16xf32> to vector<1xf32>
      %squeeze3A_827 = vector.extract %slice3A_826[0] : f32 from vector<1xf32>
      %add3A_828 = arith.addf %add3A_825, %squeeze3A_827 : f32
      %slice3A_829 = vector.extract_strided_slice %add3A_793 {offsets = [12], sizes = [1], strides = [1]} : vector<16xf32> to vector<1xf32>
      %squeeze3A_830 = vector.extract %slice3A_829[0] : f32 from vector<1xf32>
      %add3A_831 = arith.addf %add3A_828, %squeeze3A_830 : f32
      %slice3A_832 = vector.extract_strided_slice %add3A_793 {offsets = [13], sizes = [1], strides = [1]} : vector<16xf32> to vector<1xf32>
      %squeeze3A_833 = vector.extract %slice3A_832[0] : f32 from vector<1xf32>
      %add3A_834 = arith.addf %add3A_831, %squeeze3A_833 : f32
      %slice3A_835 = vector.extract_strided_slice %add3A_793 {offsets = [14], sizes = [1], strides = [1]} : vector<16xf32> to vector<1xf32>
      %squeeze3A_836 = vector.extract %slice3A_835[0] : f32 from vector<1xf32>
      %add3A_837 = arith.addf %add3A_834, %squeeze3A_836 : f32
      %slice3A_838 = vector.extract_strided_slice %add3A_793 {offsets = [15], sizes = [1], strides = [1]} : vector<16xf32> to vector<1xf32>
      %squeeze3A_839 = vector.extract %slice3A_838[0] : f32 from vector<1xf32>
      %add3A_840 = arith.addf %add3A_837, %squeeze3A_839 : f32
      %eq3A_841 = arith.constant 6 : i32
      %eq3A_842 = vector.broadcast %eq3A_841 : i32 to vector<16xi32>
      %eq3A_843 = arith.cmpi eq, %iota3A, %eq3A_842 : vector<16xi32>
      %broadcast_in_dim3A_844 = vector.broadcast %add3A_840 : f32 to vector<16xf32>
      %select_n3A_845 = arith.select %eq3A_843, %broadcast_in_dim3A_844, %select_n3A_729 : vector<16xi1>, vector<16xf32>
      %lt3A_846 = arith.constant 7 : i32
      %lt3A_847 = arith.cmpi slt, %scan3A_62, %lt3A_846 : i32
      %convert_element_type3A = arith.extui %lt3A_847 : i1 to i32
      %cond3A = arith.constant 0 : i32
      %cond3A_848 = arith.cmpi ne, %convert_element_type3A, %cond3A : i32
      scf.if %cond3A_848 {
        %add3A_949 = arith.constant 2 : i32
        %add3A_950 = arith.addi %add3A_760, %add3A_949 : i32
        %mul3A_951 = arith.constant 25600 : i32
        %mul3A_952 = arith.muli %add3A, %mul3A_951 : i32
        %mul3A_953 = arith.constant 400 : i32
        %mul3A_954 = arith.muli %add3A_950, %mul3A_953 : i32
        %add3A_955 = arith.addi %mul3A_952, %mul3A_954 : i32
        %jit3A_956 = arith.constant 999600 : i32
        %eq3A_957 = arith.constant 0 : i32
        %eq3A_958 = arith.cmpi eq, %jit3A_956, %eq3A_957 : i32
        %jit3A_959 = arith.constant 1 : i32
        %select_n3A_960 = arith.select %eq3A_958, %jit3A_959, %jit3A_956 : i32
        %rem3A_961 = arith.remsi %add3A_955, %select_n3A_960 : i32
        %ne3A_962 = arith.constant 0 : i32
        %ne3A_963 = arith.cmpi ne, %rem3A_961, %ne3A_962 : i32
        %lt3A_964 = arith.constant 0 : i32
        %lt3A_965 = arith.cmpi slt, %rem3A_961, %lt3A_964 : i32
        %lt3A_966 = arith.constant 0 : i32
        %lt3A_967 = arith.cmpi slt, %select_n3A_960, %lt3A_966 : i32
        %ne3A_968 = arith.xori %lt3A_965, %lt3A_967 : i1
        %and3A_969 = arith.andi %ne3A_968, %ne3A_963 : i1
        %add3A_970 = arith.addi %rem3A_961, %select_n3A_960 : i32
        %select_n3A_971 = arith.select %and3A_969, %add3A_970, %rem3A_961 : i32
        %dma_start3A_972 = arith.constant 0 : i32
        %dma_start3A_973 = tpu.memref_slice %arg3[%select_n3A_971, %dma_start3A_972] : memref<1000000x64xf32, #tpu.memory_space<hbm>> -> memref<400x64xf32, #tpu.memory_space<hbm>>
        %dma_start3A_974 = arith.constant 0 : i32
        %dma_start3A_975 = tpu.memref_slice %arg3[%select_n3A_971, %dma_start3A_974] : memref<1000000x64xf32, #tpu.memory_space<hbm>> -> memref<400x64xf32, #tpu.memory_space<hbm>>
        tpu.enqueue_dma source(%dma_start3A_975 : memref<400x64xf32, #tpu.memory_space<hbm>>) target(%arg7 : memref<400x64xf32, #tpu.memory_space<vmem>>) target_semaphore(%arg14 : memref<!tpu.dma_semaphore, #tpu.memory_space<semaphore_mem>>)
      } else {
      }
      %mul3A_849 = arith.constant 8 : i32
      %mul3A_850 = arith.muli %scan3A_62, %mul3A_849 : i32
      %add3A_851 = arith.constant 7 : i32
      %add3A_852 = arith.addi %mul3A_850, %add3A_851 : i32
      %dma_wait3A_853 = arith.constant 0 : i32
      %dma_wait3A_854 = arith.constant 0 : i32
      %dma_wait3A_855 = tpu.memref_slice %arg3[%dma_wait3A_853, %dma_wait3A_854] : memref<1000000x64xf32, #tpu.memory_space<hbm>> -> memref<400x64xf32, #tpu.memory_space<hbm>>
      %dma_wait3A_856 = arith.constant 0 : i32
      %dma_wait3A_857 = arith.constant 0 : i32
      %dma_wait3A_858 = tpu.memref_slice %arg3[%dma_wait3A_856, %dma_wait3A_857] : memref<1000000x64xf32, #tpu.memory_space<hbm>> -> memref<400x64xf32, #tpu.memory_space<hbm>>
      tpu.wait_dma2 semaphore(%arg15 : memref<!tpu.dma_semaphore, #tpu.memory_space<semaphore_mem>>) src(%dma_wait3A_858 : memref<400x64xf32, #tpu.memory_space<hbm>>) dst(%arg8 : memref<400x64xf32, #tpu.memory_space<vmem>>)
      %get3A_859 = arith.constant 0 : i32
      %get3A_860 = arith.index_cast %get3A_859 : i32 to index
      %get3A_861 = arith.constant 0 : index
      %get3A_862 = tpu.vector_load %arg8[%get3A_860, %get3A_861] {strides = array<i32>} : memref<400x64xf32, #tpu.memory_space<vmem>>, vector<1x16xf32>,
      %get3A_863 = vector.shape_cast %get3A_862 : vector<1x16xf32> to vector<16xf32>
      %get3A_864 = arith.constant 0 : i32
      %get3A_865 = arith.index_cast %get3A_864 : i32 to index
      %get3A_866 = arith.constant 16 : index
      %get3A_867 = tpu.vector_load %arg8[%get3A_865, %get3A_866] {strides = array<i32>} : memref<400x64xf32, #tpu.memory_space<vmem>>, vector<1x16xf32>,
      %get3A_868 = vector.shape_cast %get3A_867 : vector<1x16xf32> to vector<16xf32>
      %get3A_869 = arith.constant 0 : i32
      %get3A_870 = arith.index_cast %get3A_869 : i32 to index
      %get3A_871 = arith.constant 32 : index
      %get3A_872 = tpu.vector_load %arg8[%get3A_870, %get3A_871] {strides = array<i32>} : memref<400x64xf32, #tpu.memory_space<vmem>>, vector<1x16xf32>,
      %get3A_873 = vector.shape_cast %get3A_872 : vector<1x16xf32> to vector<16xf32>
      %get3A_874 = arith.constant 0 : i32
      %get3A_875 = arith.index_cast %get3A_874 : i32 to index
      %get3A_876 = arith.constant 48 : index
      %get3A_877 = tpu.vector_load %arg8[%get3A_875, %get3A_876] {strides = array<i32>} : memref<400x64xf32, #tpu.memory_space<vmem>>, vector<1x16xf32>,
      %get3A_878 = vector.shape_cast %get3A_877 : vector<1x16xf32> to vector<16xf32>
      %mul3A_879 = arith.mulf %get3A_863, %get3A_2 : vector<16xf32>
      %mul3A_880 = arith.mulf %get3A_868, %get3A_5 : vector<16xf32>
      %add3A_881 = arith.addf %mul3A_879, %mul3A_880 : vector<16xf32>
      %mul3A_882 = arith.mulf %get3A_873, %get3A_8 : vector<16xf32>
      %add3A_883 = arith.addf %add3A_881, %mul3A_882 : vector<16xf32>
      %mul3A_884 = arith.mulf %get3A_878, %get3A_11 : vector<16xf32>
      %add3A_885 = arith.addf %add3A_883, %mul3A_884 : vector<16xf32>
      %slice3A_886 = vector.extract_strided_slice %add3A_885 {offsets = [0], sizes = [1], strides = [1]} : vector<16xf32> to vector<1xf32>
      %squeeze3A_887 = vector.extract %slice3A_886[0] : f32 from vector<1xf32>
      %slice3A_888 = vector.extract_strided_slice %add3A_885 {offsets = [1], sizes = [1], strides = [1]} : vector<16xf32> to vector<1xf32>
      %squeeze3A_889 = vector.extract %slice3A_888[0] : f32 from vector<1xf32>
      %add3A_890 = arith.addf %squeeze3A_887, %squeeze3A_889 : f32
      %slice3A_891 = vector.extract_strided_slice %add3A_885 {offsets = [2], sizes = [1], strides = [1]} : vector<16xf32> to vector<1xf32>
      %squeeze3A_892 = vector.extract %slice3A_891[0] : f32 from vector<1xf32>
      %add3A_893 = arith.addf %add3A_890, %squeeze3A_892 : f32
      %slice3A_894 = vector.extract_strided_slice %add3A_885 {offsets = [3], sizes = [1], strides = [1]} : vector<16xf32> to vector<1xf32>
      %squeeze3A_895 = vector.extract %slice3A_894[0] : f32 from vector<1xf32>
      %add3A_896 = arith.addf %add3A_893, %squeeze3A_895 : f32
      %slice3A_897 = vector.extract_strided_slice %add3A_885 {offsets = [4], sizes = [1], strides = [1]} : vector<16xf32> to vector<1xf32>
      %squeeze3A_898 = vector.extract %slice3A_897[0] : f32 from vector<1xf32>
      %add3A_899 = arith.addf %add3A_896, %squeeze3A_898 : f32
      %slice3A_900 = vector.extract_strided_slice %add3A_885 {offsets = [5], sizes = [1], strides = [1]} : vector<16xf32> to vector<1xf32>
      %squeeze3A_901 = vector.extract %slice3A_900[0] : f32 from vector<1xf32>
      %add3A_902 = arith.addf %add3A_899, %squeeze3A_901 : f32
      %slice3A_903 = vector.extract_strided_slice %add3A_885 {offsets = [6], sizes = [1], strides = [1]} : vector<16xf32> to vector<1xf32>
      %squeeze3A_904 = vector.extract %slice3A_903[0] : f32 from vector<1xf32>
      %add3A_905 = arith.addf %add3A_902, %squeeze3A_904 : f32
      %slice3A_906 = vector.extract_strided_slice %add3A_885 {offsets = [7], sizes = [1], strides = [1]} : vector<16xf32> to vector<1xf32>
      %squeeze3A_907 = vector.extract %slice3A_906[0] : f32 from vector<1xf32>
      %add3A_908 = arith.addf %add3A_905, %squeeze3A_907 : f32
      %slice3A_909 = vector.extract_strided_slice %add3A_885 {offsets = [8], sizes = [1], strides = [1]} : vector<16xf32> to vector<1xf32>
      %squeeze3A_910 = vector.extract %slice3A_909[0] : f32 from vector<1xf32>
      %add3A_911 = arith.addf %add3A_908, %squeeze3A_910 : f32
      %slice3A_912 = vector.extract_strided_slice %add3A_885 {offsets = [9], sizes = [1], strides = [1]} : vector<16xf32> to vector<1xf32>
      %squeeze3A_913 = vector.extract %slice3A_912[0] : f32 from vector<1xf32>
      %add3A_914 = arith.addf %add3A_911, %squeeze3A_913 : f32
      %slice3A_915 = vector.extract_strided_slice %add3A_885 {offsets = [10], sizes = [1], strides = [1]} : vector<16xf32> to vector<1xf32>
      %squeeze3A_916 = vector.extract %slice3A_915[0] : f32 from vector<1xf32>
      %add3A_917 = arith.addf %add3A_914, %squeeze3A_916 : f32
      %slice3A_918 = vector.extract_strided_slice %add3A_885 {offsets = [11], sizes = [1], strides = [1]} : vector<16xf32> to vector<1xf32>
      %squeeze3A_919 = vector.extract %slice3A_918[0] : f32 from vector<1xf32>
      %add3A_920 = arith.addf %add3A_917, %squeeze3A_919 : f32
      %slice3A_921 = vector.extract_strided_slice %add3A_885 {offsets = [12], sizes = [1], strides = [1]} : vector<16xf32> to vector<1xf32>
      %squeeze3A_922 = vector.extract %slice3A_921[0] : f32 from vector<1xf32>
      %add3A_923 = arith.addf %add3A_920, %squeeze3A_922 : f32
      %slice3A_924 = vector.extract_strided_slice %add3A_885 {offsets = [13], sizes = [1], strides = [1]} : vector<16xf32> to vector<1xf32>
      %squeeze3A_925 = vector.extract %slice3A_924[0] : f32 from vector<1xf32>
      %add3A_926 = arith.addf %add3A_923, %squeeze3A_925 : f32
      %slice3A_927 = vector.extract_strided_slice %add3A_885 {offsets = [14], sizes = [1], strides = [1]} : vector<16xf32> to vector<1xf32>
      %squeeze3A_928 = vector.extract %slice3A_927[0] : f32 from vector<1xf32>
      %add3A_929 = arith.addf %add3A_926, %squeeze3A_928 : f32
      %slice3A_930 = vector.extract_strided_slice %add3A_885 {offsets = [15], sizes = [1], strides = [1]} : vector<16xf32> to vector<1xf32>
      %squeeze3A_931 = vector.extract %slice3A_930[0] : f32 from vector<1xf32>
      %add3A_932 = arith.addf %add3A_929, %squeeze3A_931 : f32
      %eq3A_933 = arith.constant 7 : i32
      %eq3A_934 = vector.broadcast %eq3A_933 : i32 to vector<16xi32>
      %eq3A_935 = arith.cmpi eq, %iota3A, %eq3A_934 : vector<16xi32>
      %broadcast_in_dim3A_936 = vector.broadcast %add3A_932 : f32 to vector<16xf32>
      %select_n3A_937 = arith.select %eq3A_935, %broadcast_in_dim3A_936, %select_n3A_845 : vector<16xi1>, vector<16xf32>
      %lt3A_938 = arith.constant 7 : i32
      %lt3A_939 = arith.cmpi slt, %scan3A_62, %lt3A_938 : i32
      %convert_element_type3A_940 = arith.extui %lt3A_939 : i1 to i32
      %cond3A_941 = arith.constant 0 : i32
      %cond3A_942 = arith.cmpi ne, %convert_element_type3A_940, %cond3A_941 : i32
      scf.if %cond3A_942 {
        %add3A_949 = arith.constant 2 : i32
        %add3A_950 = arith.addi %add3A_852, %add3A_949 : i32
        %mul3A_951 = arith.constant 25600 : i32
        %mul3A_952 = arith.muli %add3A, %mul3A_951 : i32
        %mul3A_953 = arith.constant 400 : i32
        %mul3A_954 = arith.muli %add3A_950, %mul3A_953 : i32
        %add3A_955 = arith.addi %mul3A_952, %mul3A_954 : i32
        %jit3A_956 = arith.constant 999600 : i32
        %eq3A_957 = arith.constant 0 : i32
        %eq3A_958 = arith.cmpi eq, %jit3A_956, %eq3A_957 : i32
        %jit3A_959 = arith.constant 1 : i32
        %select_n3A_960 = arith.select %eq3A_958, %jit3A_959, %jit3A_956 : i32
        %rem3A_961 = arith.remsi %add3A_955, %select_n3A_960 : i32
        %ne3A_962 = arith.constant 0 : i32
        %ne3A_963 = arith.cmpi ne, %rem3A_961, %ne3A_962 : i32
        %lt3A_964 = arith.constant 0 : i32
        %lt3A_965 = arith.cmpi slt, %rem3A_961, %lt3A_964 : i32
        %lt3A_966 = arith.constant 0 : i32
        %lt3A_967 = arith.cmpi slt, %select_n3A_960, %lt3A_966 : i32
        %ne3A_968 = arith.xori %lt3A_965, %lt3A_967 : i1
        %and3A_969 = arith.andi %ne3A_968, %ne3A_963 : i1
        %add3A_970 = arith.addi %rem3A_961, %select_n3A_960 : i32
        %select_n3A_971 = arith.select %and3A_969, %add3A_970, %rem3A_961 : i32
        %dma_start3A_972 = arith.constant 0 : i32
        %dma_start3A_973 = tpu.memref_slice %arg3[%select_n3A_971, %dma_start3A_972] : memref<1000000x64xf32, #tpu.memory_space<hbm>> -> memref<400x64xf32, #tpu.memory_space<hbm>>
        %dma_start3A_974 = arith.constant 0 : i32
        %dma_start3A_975 = tpu.memref_slice %arg3[%select_n3A_971, %dma_start3A_974] : memref<1000000x64xf32, #tpu.memory_space<hbm>> -> memref<400x64xf32, #tpu.memory_space<hbm>>
        tpu.enqueue_dma source(%dma_start3A_975 : memref<400x64xf32, #tpu.memory_space<hbm>>) target(%arg8 : memref<400x64xf32, #tpu.memory_space<vmem>>) target_semaphore(%arg15 : memref<!tpu.dma_semaphore, #tpu.memory_space<semaphore_mem>>)
      } else {
      }
      %add3A_943 = arith.addf %select_n3A_937, %get3A_14 : vector<16xf32>
      %mul3A_944 = arith.constant 16 : i32
      %mul3A_945 = arith.muli %scan3A_62, %mul3A_944 : i32
      %swap3A = arith.index_cast %mul3A_945 : i32 to index
      %swap3A_946 = tpu.vector_load %arg13[%swap3A] {strides = array<i32>} : memref<128xf32, #tpu.memory_space<vmem>>, vector<16xf32>,
      %swap3A_947 = vector.shape_cast %swap3A_946 : vector<16xf32> to vector<16xf32>
      %swap3A_948 = vector.shape_cast %add3A_943 : vector<16xf32> to vector<16xf32>
      tpu.vector_store %arg13[%swap3A], %swap3A_948 {strides = array<i32>} : memref<128xf32, #tpu.memory_space<vmem>>, vector<16xf32>,
    }
    %scan3A_59 = arith.constant 8 : i32
    %mul3A_60 = arith.constant 128 : i32
    %mul3A_61 = arith.muli %add3A, %mul3A_60 : i32
    "tpu.region"() ({
      %run_scoped3A = tpu.sem_alloc : memref<!tpu.dma_semaphore, #tpu.memory_space<semaphore_mem>>
      %dma_start3A_62 = tpu.memref_slice %arg5[%mul3A_61] : memref<4096xf32, #tpu.memory_space<hbm>> -> memref<128xf32, #tpu.memory_space<hbm>>
      %dma_start3A_63 = tpu.memref_slice %arg5[%mul3A_61] : memref<4096xf32, #tpu.memory_space<hbm>> -> memref<128xf32, #tpu.memory_space<hbm>>
      tpu.enqueue_dma source(%arg13 : memref<128xf32, #tpu.memory_space<vmem>>) target(%dma_start3A_63 : memref<128xf32, #tpu.memory_space<hbm>>) target_semaphore(%run_scoped3A : memref<!tpu.dma_semaphore, #tpu.memory_space<semaphore_mem>>)
      %dma_wait3A = tpu.memref_slice %arg5[%mul3A_61] : memref<4096xf32, #tpu.memory_space<hbm>> -> memref<128xf32, #tpu.memory_space<hbm>>
      %dma_wait3A_64 = tpu.memref_slice %arg5[%mul3A_61] : memref<4096xf32, #tpu.memory_space<hbm>> -> memref<128xf32, #tpu.memory_space<hbm>>
      tpu.wait_dma2 semaphore(%run_scoped3A : memref<!tpu.dma_semaphore, #tpu.memory_space<semaphore_mem>>) src(%arg13 : memref<128xf32, #tpu.memory_space<vmem>>) dst(%dma_wait3A_64 : memref<128xf32, #tpu.memory_space<hbm>>)
      tpu.yield
    }) : () -> ()
    return
  }
}

</mosaic_0001>

<sc_bundles>
// kernel: kernel.3.cloned.1.call-start
scs
__scs_entry_jumppad:
0x0: {  	(pc) =	sbr.rel $0x88, $3  }
0x1: {  	(tag) =	ssettag $0x0;
	lr =	simm.s32 $0x1  }
0x2: {  	[smem:$0x3F9D] =	sst lr;
	_ =	strace $0xD0000000  }
0x3: {  	_ = 	snop  }
0x4: {  	_ = 	snop  }
0x5: {  	_ = 	snop  }
0x6: {  	_ = 	snop  }
0x7: {  	_ = 	snop  }
__scs_overlays_trampoline_lowered:
0x8: {  	[smem:$0x3FAC] =	sst s0  }
0x9: {  	[smem:$0x3FAD] =	sst s1  }
0xa: {  	[smem:$0x3FAE] =	sst s2  }
0xb: {  	[smem:$0x3FAF] =	sst s3  }
0xc: {  	[smem:$0x3FB0] =	sst s4  }
0xd: {  	[smem:$0x3FB1] =	sst s5  }
0xe: {  	[smem:$0x3FB2] =	sst s6  }
0xf: {  	[smem:$0x3FB3] =	sst s7  }
0x10: {  	[smem:$0x3FB4] =	sst s8  }
0x11: {  	[smem:$0x3FB5] =	sst s9;
	s0 =	simm.s32 @!p0 $0x0  }
0x12: {  	s1 =	sld [smem:$0x3F9B];
	s0 =	simm.s32 @p0 $0x1  }
0x13: {  	[smem:$0x3FB6] =	sst s0;
	s0 =	simm.s32 @!p1 $0x0  }
0x14: {  	s2 =	sld [smem:$0x3F9A];
	s0 =	simm.s32 @p1 $0x1  }
0x15: {  	[smem:$0x3FB7] =	sst s0;
	s0 =	simm.s32 @!p2 $0x0  }
0x16: {  	s3 =	sld [smem:$0x3FDB];
	s0 =	simm.s32 @p2 $0x1  }
0x17: {  	s4 =	simm.s32 $0x1BF5;
	[smem:$0x3FB9] =	sst s0  }
0x18: {  	s0 =	sld [smem:$0x3F9C];
	_ =	swait.ge [sflag:s4], $0x0  }
0x19: {  	s7 =	sld [smem:$0x3F9D]  }
0x1a: {  	s8 =	sadd.s32 $0xFFFFE003, lr  }
0x1b: {  	s9 =	sadd.s32 $0xFFFFFEF7, lr;
	s5 =	simm.s32 $0xFFFFFFFF;
	p2 =	slt.u32 s8, $0xFFFFF086  }
0x1c: {  	p1 =	slt.u32 s9, $0xF7A;
	s5 =	simm.s32 @!p2 $0x0  }
0x1d: {  	s5 =	simm.s32 @p1 $0x1;
	p0 =	seq.s32 s7, s2  }
0x1e: {  	s7 =	smul.u32 @!p0 $0xF7A, s2;
	p2 =	seq.s32 @!p0 s5, $0x0  }
0x1f: {  	s9 =	smul.u32 $0xF7A, s1;
	s8 =	simm.s32 @!p0 $0x1BF5;
	p2 =	por !p2, p0  }
0x20: {  	[sflag:s8] =	ssyncset.s32 @!p0 $0xFFFFF086;
	s6 =	sadd.s32 @!p0 s3, s7;
	s7 =	simm.s32 @!p0 $0x108  }
0x21: {  	s3 =	sadd.s32 s3, s9;
	s6 =	sadd.s32 @!p0 $0x88, s6;
	s7 =	simm.s32 @p2 $0x1082  }
0x22: {  	[simem:s7], [sflag:s8] =	dma.local @!p0 [hbm:s6], $0xF7A  }
0x23: {  	s9 =	sor.u32 $0xD0000000, s2;
	s6 =	simm.s32 $0x108;
	_ =	swait.ge @!p0 [sflag:s8], $0x0  }
0x24: {  	s3 =	sadd.s32 $0x88, s3;
	s6 =	simm.s32 @!p1 $0x1082;
	[sflag:s4] =	ssyncset.s32 $0xFFFFF086  }
0x25: {  	[simem:s6], [sflag:s4] =	dma.local [hbm:s3], $0xF7A  }
0x26: {  	[smem:$0x3F9D] =	sst s1;
	(tag) =	ssettag s2;
	_ =	strace s9  }
0x27: {  	s1 =	sld [smem:$0x3FAD]  }
0x28: {  	s2 =	sld [smem:$0x3FAE]  }
0x29: {  	s4 =	sld [smem:$0x3FB0]  }
0x2a: {  	p0 =	seq.s32 s5, $0x0;
	s5 =	sld [smem:$0x3FB1]  }
0x2b: {  	s6 =	sld [smem:$0x3FB2]  }
0x2c: {  	s7 =	sld [smem:$0x3FB3]  }
0x2d: {  	s3 =	simm.s32 $0x108;
	s8 =	sld [smem:$0x3FB4]  }
0x2e: {  	s3 =	simm.s32 @!p0 $0x1082;
	s9 =	sld [smem:$0x3FB5]  }
0x2f: {  	lr =	sadd.s32 s0, s3;
	s0 =	sld [smem:$0x3FAC]  }
0x30: {  	s3 =	sld [smem:$0x3FAF]  }
0x31: {  	[smem:$0x3FB8] =	sst s10  }
0x32: {  	s10 =	sld [smem:$0x3FB6];
	_ =	sdelay $0x3  }
0x33: {  	p0 =	seq.s32 s10, $0x1;
	s10 =	sld [smem:$0x3FB8];
	_ =	sdelay $0x3  }
0x34: {  	[smem:$0x3FB8] =	sst s10  }
0x35: {  	s10 =	sld [smem:$0x3FB7];
	_ =	sdelay $0x3  }
0x36: {  	p1 =	seq.s32 s10, $0x1;
	s10 =	sld [smem:$0x3FB8];
	_ =	sdelay $0x3  }
0x37: {  	[smem:$0x3FB8] =	sst s10  }
0x38: {  	s10 =	sld [smem:$0x3FB9]  }
0x39: {  	_ = 	snop;
	(pc) =	sbr.ind lr, $3  }
0x3a: {  	_ = 	snop  }
0x3b: {  	_ = 	snop  }
0x3c: {  	p2 =	seq.s32 s10, $0x1;
	s10 =	sld [smem:$0x3FB8]  }
0x3d: {  	_ =	shalt  }
0x3e: {  	_ =	shalt  }
0x3f: {  	_ =	shalt  }
0x40: {  	_ =	shalt  }
0x41: {  	_ =	shalt  }
0x42: {  	_ =	shalt  }
0x43: {  	_ =	shalt  }
0x44: {  	_ =	shalt  }
0x45: {  	_ =	shalt  }
0x46: {  	_ =	shalt  }
0x47: {  	_ =	shalt  }
0x48: {  	_ =	shalt  }
0x49: {  	_ =	shalt  }
0x4a: {  	_ =	shalt  }
0x4b: {  	_ =	shalt  }
0x4c: {  	_ =	shalt  }
0x4d: {  	_ =	shalt  }
0x4e: {  	_ =	shalt  }
0x4f: {  	_ =	shalt  }
0x50: {  	_ =	shalt  }
0x51: {  	_ =	shalt  }
0x52: {  	_ =	shalt  }
0x53: {  	_ =	shalt  }
0x54: {  	_ =	shalt  }
0x55: {  	_ =	shalt  }
0x56: {  	_ =	shalt  }
0x57: {  	_ =	shalt  }
0x58: {  	_ =	shalt  }
0x59: {  	_ =	shalt  }
0x5a: {  	_ =	shalt  }
0x5b: {  	_ =	shalt  }
0x5c: {  	_ =	shalt  }
0x5d: {  	_ =	shalt  }
0x5e: {  	_ =	shalt  }
0x5f: {  	_ =	shalt  }
0x60: {  	_ =	shalt  }
0x61: {  	_ =	shalt  }
0x62: {  	_ =	shalt  }
0x63: {  	_ =	shalt  }
0x64: {  	_ =	shalt  }
0x65: {  	_ =	shalt  }
0x66: {  	_ =	shalt  }
0x67: {  	_ =	shalt  }
0x68: {  	_ =	shalt  }
0x69: {  	_ =	shalt  }
0x6a: {  	_ =	shalt  }
0x6b: {  	_ =	shalt  }
0x6c: {  	_ =	shalt  }
0x6d: {  	_ =	shalt  }
0x6e: {  	_ =	shalt  }
0x6f: {  	_ =	shalt  }
0x70: {  	_ =	shalt  }
0x71: {  	_ =	shalt  }
0x72: {  	_ =	shalt  }
0x73: {  	_ =	shalt  }
0x74: {  	_ =	shalt  }
0x75: {  	_ =	shalt  }
0x76: {  	_ =	shalt  }
0x77: {  	_ =	shalt  }
0x78: {  	_ =	shalt  }
0x79: {  	_ =	shalt  }
0x7a: {  	_ =	shalt  }
0x7b: {  	_ =	shalt  }
0x7c: {  	_ =	shalt  }
0x7d: {  	_ =	shalt  }
0x7e: {  	_ =	shalt  }
0x7f: {  	_ =	shalt  }
0x80: {  	_ =	shalt  }
0x81: {  	_ =	shalt  }
0x82: {  	_ =	shalt  }
0x83: {  	_ =	shalt  }
0x84: {  	_ =	shalt  }
0x85: {  	_ =	shalt  }
0x86: {  	_ =	shalt  }
0x87: {  	_ =	shalt  }
.Lfunc_end0:
.L_simem_size_0:
called_computation_lowered:
.L_overlay_start_0:
0x88: {  	s2 =	sld [smem:$0x3FD9]  }
0x89: {  	s3 =	sld [smem:$0x3FFE];
	_ =	sdelay $0x1  }
0x8a: {  	s1 =	srdreg.scid  }
0x8b: {  	s0 =	sand.u32 $0x1, s1  }
0x8c: {  	s17 =	sshll.u32 s0, $0xA;
	s2 =	sadd.s32 s3, s2  }
0x8d: {  	s2 =	sadd.s32 s2, s17  }
0x8e: {  	[smem:$0x3FC4] =	sst s2  }
0x8f: {  	_ = 	snop  }
0x90: {  	s2 =	sld [smem:$0x3FD0];
	(tm) =	ssettm $0x1  }
0x91: {  	s18 =	sld [smem:$0x3FFB];
	_ =	sdelay $0x3  }
0x92: {  	_ =	strace s18  }
0x93: {  	s3 =	sld [smem:$0x3FFC];
	_ =	sdelay $0x3  }
0x94: {  	_ =	strace s3  }
0x95: {  	s3 =	sld [smem:$0x3FFD];
	_ =	sdelay $0x3  }
0x96: {  	_ =	strace s3  }
0x97: {  	_ =	strace $0x8FFFFFFF  }
0x98: {  	s19 =	sld [smem:$0x3FDB];
	_ =	sdelay $0x1  }
0x99: {  	s4 =	simm.s32 $_scs_section_size  }
0x9a: {  	s5 =	simm.s32 $_size__tile_overlayer_lowered;
	s6 =	simm.s32 $_tile_overlayer_lowered  }
0x9b: {  	s22 =	simm.s32 $0x1BFF;
	s21 =	sshll.u32 s6, $0x1;
	s3 =	sadd.s32 s4, s19  }
0x9c: {  	s7 =	simm.s32 $0x0;
	s20 =	sshll.u32 s5, $0x1;
	s5 =	sadd.s32 s21, s3  }
0x9d: {  	[timem:s7], [sflag:s22] =	dma.local [hbm:s5], s20  }
0x9e: {  	_ =	swait.ge [sflag:s22], s20  }
0x9f: {  	s4 =	ssub.s32 $0x0, s20;
	[sflag:s22] =	ssyncset.done $0x0  }
0xa0: {  	[sflag:s22] =	ssyncadd.s32 s4;
	_ =	sdelay $0x1  }
0xa1: {  	s23 =	simm.s32 $0x1B8B  }
0xa2: {  	_ =	swait.ge [sflag:s23], $0x1  }
0xa3: {  	[sflag:s23] =	ssyncset.done $0x0  }
0xa4: {  	s25 =	simm.s32 $0x1B8E;
	s24 =	sld [smem:$0x3FFE];
	[sflag:s23] =	ssyncadd.s32 $0xFFFFFFFF  }
0xa5: {  	s26 =	simm.s32 $execute0_lowered;
	[smem:$0x3FD2] =	sst s25  }
0xa6: {  	s5 =	sshll.u32 s26, $0x1;
	_ =	strace $0x80000046;
	[dreg:$0x1] =	wrdreg $0xFFFFFFFF  }
0xa7: {  	s28 =	simm.s32 $_size_execute0_lowered;
	s3 =	sadd.s32 s3, s5;
	[dreg:$0x0] =	wrdreg $0x0  }
0xa8: {  	s5 =	sshll.u32 s28, $0x1;
	[dreg:$0x2] =	wrdreg s3  }
0xa9: {  	[dreg:$0x3] =	wrdreg s5  }
0xaa: {  	[dreg:$0x4] =	wrdreg $0xC0  }
0xab: {  	_ =	task [dreg:s7], $0x5FFFF  }
0xac: {  	[dreg:$0x1] =	wrdreg $0xFFFFFFFF  }
0xad: {  	[dreg:$0x0] =	wrdreg $0x60  }
0xae: {  	[dreg:$0x2] =	wrdreg s24  }
0xaf: {  	[dreg:$0x3] =	wrdreg s2  }
0xb0: {  	[dreg:$0x4] =	wrdreg $0x9  }
0xb1: {  	_ =	task.clear_ibuf [dreg:s7], $0x5FFFF;
	_ =	strace $0x90000046  }
0xb2: {  	s29 =	simm.s32 $0x9;
	_ =	strace $0x80000048  }
0xb3: {  	_ =	swait.ge [sflag:s29], $0x1  }
0xb4: {  	[sflag:s29] =	ssyncadd.s32 $0xFFFFFFFF  }
0xb5: {  	_ =	strace $0x90000048  }
0xb6: {  	_ =	sfence  }
0xb7: {  	s30 =	sld [smem:$0x0];
	_ =	sdelay $0x2  }
0xb8: {  	s31 =	sshll.u32 s1, $0xD;
	s1 =	sshrl.u32 s1, $0x2  }
0xb9: {  	s3 =	sand.u32 $0x4000, s31;
	s1 =	sadd.s32 s1, s30  }
0xba: {  	s0 =	sor.u32 s3, s0;
	s1 =	sshll.u32 s1, $0x11  }
0xbb: {  	s0 =	sor.u32 s1, s0  }
0xbc: {  	s0 =	sadd.s32 $0x8F2B, s0  }
0xbd: {  	[sflag:s0] =	ssyncadd.remote.s32 $0x1  }
0xbe: {  	_ =	sfence.sel $0xFFFF  }
0xbf: {  	[dreg:$0x0] =	wrdreg $0xFFFFFFFF;
	(pc) =	sbr.abs _section_cstart, $3  }
0xc0: {  	[dreg:$0x1] =	wrdreg $0xFFFFFFFF  }
0xc1: {  	_ =	task.clear_ibuf [dreg:s7], $0x2FFFF;
	_ =	strace $0x9FFFFFFF  }
0xc2: {  	(tm) =	ssettm $0x7FFFFFFF  }
0xc3: {  	_ =	shalt  }
tec
execute0_lowered:
.L_overlay_start_1:
0x0: {  	(tag) =	ssettag $0x1  }
0x1: {  	s0 =	srdreg.scid;
	s1 =	rddreg [dreg:$0x0]  }
0x2: {  	s9 =	stileid.u32;
	s3 =	rddreg [dreg:$0x1];
	s10 =	simm.s32 $0x0  }
0x3: {  	s0 =	sand.u32 $0x1, s0;
	s2 =	sshll.u32 s9, $0x1;
	s30 =	smul.u32 $0x64000, s9  }
0x4: {  	s2 =	sor.u32 s0, s2;
	s5 =	ssub.s32 $0x2, s0;
	s0 =	smul.u32 $0x32000, s0  }
0x5: {  	[smem:$0x7FF] =	sst s10;
	s8 =	sadd.s32 $0xF42C00, s1;
	s4 =	smul.u32 $0x6400, s2  }
0x6: {  	_ =	strace $0x80000047;
	s7 =	smul.u32 $0x32000, s2;
	s2 =	sshll.u32 s2, $0x4  }
0x7: {  	s6 =	sshrl.u32 s5, $0x1;
	s31 =	sadd.s32 s30, s8;
	s2 =	sadd.s32 s3, s2  }
0x8: {  	s0 =	sadd.s32 s0, s31;
	s4 =	sshrl.u32 s4, $0x3;
	[dreg:$0x7] =	wrdreg s2  }
0x9: {  	s29 =	sadd.s32 s8, s7;
	[dreg:$0x9] =	wrdreg s0;
	s4 =	sadd.s32 s4, s1  }
.Ltmp0:
0xa: {  	s1 =	sadd.s32 $0x19800, s1;
	[dreg:$0x5] =	wrdreg s29;
	(pc) =	sbr.rel .LBB2_1-.Ltmp0, $4  }
0xb: {  	s28 =	ssub.s32 s5, s6;
	s5 =	sadd.s32 $0xC80, s29;
	[dreg:$0x3] =	wrdreg s1  }
0xc: {  	vm0 =	vcmask $0x300;
	vm1 =	vcmask $0x704;
	s4 =	sadd.s32 $0x800, s4;
	[dreg:$0x6] =	wrdreg s5  }
0xd: {  	vm2 =	vcmask $0xB08;
	vm3 =	vcmask $0xF0C;
	vm4 =	vcmask $0x1310;
	s3 =	simm.s32 $0xC800;
	s1 =	smax.u32 s28, $0x1;
	[dreg:$0x4] =	wrdreg s4  }
0xe: {  	vm5 =	vcmask $0x1714;
	vm6 =	vcmask $0x1B18;
	v0 =	vlaneseq.u32;
	s2 =	simm.s32 $0x0;
	[dreg:$0x8] =	wrdreg s1;
	s1 =	simm.s32 $0x3  }
.LBB2_4:
0xf: {  	[tilespmem:$0x12CC0] =	vst v6;
	s10 =	simm.s32 $0x0;
	s0 =	rddreg [dreg:$0x7];
	s1 =	simm.s32 $0x12C50  }
0x10: {  	[hbm4b:s0+s10] =	stream.linear.scatter [tilespmem:s1], [sflag:$0x3], $0x80, $0x38;
	[tilespmem:$0x12CD0] =	vst v63  }
0x11: {  	s1 =	simm.s32 $0x3  }
0x12: {  	_ =	swait.ge [sflag:s1], $0x80  }
0x13: {  	s2 =	rddreg [dreg:$0xa]  }
0x14: {  	s31 =	rddreg [dreg:$0x8];
	s2 =	sadd.s32 $0x1, s2  }
0x15: {  	p0 =	sne.s32 s2, s31  }
.Ltmp1:
0x16: {  	_ = 	snop;
	(pc) =	sbr.rel @!p0 .LBB2_5-.Ltmp1, $3  }
0x17: {  	_ =	sdelay $0x1  }
0x18: {  	[sflag:s1] =	ssyncset.done $0x0  }
0x19: {  	s3 =	simm.s32 $0xC800;
	[sflag:s1] =	ssyncadd.s32 $0xFFFFFF80  }
.LBB2_1:
0x1a: {  	[dreg:$0xa] =	wrdreg s2  }
0x1b: {  	s0 =	rddreg [dreg:$0x4]  }
0x1c: {  	[tilespmem:s10], [sflag:$0x3] =	stream.linear.gather [hbm4b:s0+s10], $0x6400, $0x38;
	[tilespmem:$0x12CD0] =	vst v63  }
0x1d: {  	_ =	swait.ge [sflag:s1], $0x6400  }
0x1e: {  	[sflag:s1] =	ssyncset.done $0x0  }
0x1f: {  	s25 =	simm.s32 $0x12C00;
	s24 =	rddreg [dreg:$0x3];
	[sflag:s1] =	ssyncadd.s32 $0xFFFF9C00  }
0x20: {  	[tilespmem:s25], [sflag:$0x3] =	stream.linear.gather [hbm4b:s24+s10], $0x50, $0x38;
	[tilespmem:$0x12CD0] =	vst v63  }
0x21: {  	_ =	swait.ge [sflag:s1], $0x50  }
0x22: {  	[sflag:s1] =	ssyncset.done $0x0  }
0x23: {  	[sflag:s1] =	ssyncadd.s32 $0xFFFFFFB0  }
0x24: {  	s30 =	simm.s32 $0x0;
	v1 =	vld [tilespmem:$0x12C00]  }
0x25: {  	s31 =	simm.s32 $0x12C50;
	[dreg:$0xb] =	wrdreg s30;
	v2 =	vld [tilespmem:$0x12C10]  }
0x26: {  	[dreg:$0xc] =	wrdreg s31;
	v3 =	vld [tilespmem:$0x12C20]  }
0x27: {  	s28 =	simm.s32 $0x6400;
	s26 =	rddreg [dreg:$0x5];
	v4 =	vld [tilespmem:$0x12C30]  }
0x28: {  	v5 =	vld [tilespmem:$0x12C40];
	[tilespmem:s28], [sflag:$0x1] =	stream.linear.gather [hbm4b:s26+s10], $0x6400, $0x38  }
0x29: {  	s29 =	rddreg [dreg:$0x6]  }
0x2a: {  	[tilespmem:s3], [sflag:$0x2] =	stream.linear.gather [hbm4b:s29+s10], $0x6400, $0x38;
	[tilespmem:$0x12CD0] =	vst v63  }
.LBB2_2:
0x2b: {  	s4 =	simm.s32 $0x1  }
0x2c: {  	_ =	swait.ge [sflag:s4], $0x6400  }
0x2d: {  	[sflag:s4] =	ssyncset.done $0x0  }
0x2e: {  	s0 =	rddreg [dreg:$0x9];
	[sflag:s4] =	ssyncadd.s32 $0xFFFF9C00  }
0x2f: {  	s1 =	rddreg [dreg:$0xb];
	v6 =	vld [tilespmem:$0x6400]  }
0x30: {  	s20 =	sadd.s32 s1, s0;
	v7 =	vld [tilespmem:$0x6410]  }
0x31: {  	s2 =	simm.s32 $0x6400;
	s8 =	simm.s32 $0x2;
	v9 =	vld [tilespmem:$0x6420];
	s0 =	sadd.s32 $0x1900, s20  }
0x32: {  	v10 =	vld [tilespmem:$0x6430];
	[tilespmem:s2], [sflag:$0x1] =	stream.linear.gather [hbm4b:s0+s10], $0x6400, $0x38  }
0x33: {  	_ =	swait.ge [sflag:s8], $0x6400  }
0x34: {  	[sflag:s8] =	ssyncset.done $0x0  }
0x35: {  	[sflag:s8] =	ssyncadd.s32 $0xFFFF9C00  }
0x36: {  	v11 =	vld [tilespmem:$0xC800]  }
0x37: {  	v12 =	vld [tilespmem:$0xC810]  }
0x38: {  	s13 =	sadd.s32 $0x2580, s20;
	v13 =	vld [tilespmem:$0xC820]  }
0x39: {  	v14 =	vld [tilespmem:$0xC830];
	[tilespmem:s3], [sflag:$0x2] =	stream.linear.gather [hbm4b:s13+s10], $0x6400, $0x38  }
0x3a: {  	_ =	swait.ge [sflag:s4], $0x6400  }
0x3b: {  	[sflag:s4] =	ssyncset.done $0x0  }
0x3c: {  	[sflag:s4] =	ssyncadd.s32 $0xFFFF9C00  }
0x3d: {  	v15 =	vld [tilespmem:$0x6400]  }
0x3e: {  	v16 =	vld [tilespmem:$0x6410]  }
0x3f: {  	s14 =	sadd.s32 $0x3200, s20;
	v17 =	vld [tilespmem:$0x6420]  }
0x40: {  	v18 =	vld [tilespmem:$0x6430];
	[tilespmem:s2], [sflag:$0x1] =	stream.linear.gather [hbm4b:s14+s10], $0x6400, $0x38  }
0x41: {  	_ =	swait.ge [sflag:s8], $0x6400  }
0x42: {  	[sflag:s8] =	ssyncset.done $0x0  }
0x43: {  	[sflag:s8] =	ssyncadd.s32 $0xFFFF9C00  }
0x44: {  	v19 =	vld [tilespmem:$0xC800]  }
0x45: {  	v20 =	vld [tilespmem:$0xC810]  }
0x46: {  	s15 =	sadd.s32 $0x3E80, s20;
	v21 =	vld [tilespmem:$0xC820]  }
0x47: {  	v22 =	vld [tilespmem:$0xC830];
	[tilespmem:s3], [sflag:$0x2] =	stream.linear.gather [hbm4b:s15+s10], $0x6400, $0x38  }
0x48: {  	v6 =	vmul.f32 v6, v1;
	v7 =	vmul.f32 v7, v2;
	_ =	swait.ge [sflag:s4], $0x6400  }
0x49: {  	[sflag:s4] =	ssyncset.done $0x0  }
0x4a: {  	v23 =	vmul.f32 v9, v3;
	v6 =	vadd.f32 v7, v6;
	[sflag:s4] =	ssyncadd.s32 $0xFFFF9C00  }
0x4b: {  	v8 =	vld [tilespmem:$0x6400]  }
0x4c: {  	v10 =	vmul.f32 v10, v4;
	v23 =	vadd.f32 v23, v6;
	v47 =	vld [tilespmem:$0x6410]  }
0x4d: {  	s16 =	sadd.s32 $0x4B00, s20;
	v7 =	vld [tilespmem:$0x6420]  }
0x4e: {  	v10 =	vadd.f32 v10, v23;
	v6 =	vld [tilespmem:$0x6430];
	[tilespmem:s2], [sflag:$0x1] =	stream.linear.gather [hbm4b:s16+s10], $0x6400, $0x38  }
0x4f: {  	_ =	swait.ge [sflag:s8], $0x6400  }
0x50: {  	(v2sf) =	vpush v10, $0x0  }
0x51: {  	(v2sf) =	vpush v10, $0x1  }
0x52: {  	(v2sf) =	vpush v10, $0x2  }
0x53: {  	(v2sf) =	vpush v10, $0x3  }
0x54: {  	(v2sf) =	vpush v10, $0x4  }
0x55: {  	(v2sf) =	vpush v10, $0x5  }
0x56: {  	(v2sf) =	vpush v10, $0x6  }
0x57: {  	(v2sf) =	vpush v10, $0x7  }
0x58: {  	v11 =	vmul.f32 v11, v1;
	v12 =	vmul.f32 v12, v2;
	(v2sf) =	vpush v10, $0x8  }
0x59: {  	(v2sf) =	vpush v10, $0x9  }
0x5a: {  	v48 =	vmul.f32 v13, v3;
	v11 =	vadd.f32 v12, v11;
	(v2sf) =	vpush v10, $0xA  }
0x5b: {  	(v2sf) =	vpush v10, $0xB  }
0x5c: {  	v49 =	vmul.f32 v14, v4;
	v11 =	vadd.f32 v48, v11;
	(v2sf) =	vpush v10, $0xC  }
0x5d: {  	(v2sf) =	vpush v10, $0xD  }
0x5e: {  	v11 =	vadd.f32 v49, v11;
	(v2sf) =	vpush v10, $0xE  }
0x5f: {  	s17 =	spop (v2sf);
	(v2sf) =	vpush v10, $0xF  }
0x60: {  	s18 =	spop (v2sf);
	(v2sf) =	vpush v11, $0x0  }
0x61: {  	s19 =	spop (v2sf);
	(v2sf) =	vpush v11, $0x1  }
0x62: {  	s21 =	spop (v2sf);
	(v2sf) =	vpush v11, $0x2  }
0x63: {  	s22 =	spop (v2sf);
	(v2sf) =	vpush v11, $0x3  }
0x64: {  	s23 =	spop (v2sf);
	(v2sf) =	vpush v11, $0x4  }
0x65: {  	s24 =	spop (v2sf);
	(v2sf) =	vpush v11, $0x5  }
0x66: {  	s25 =	spop (v2sf);
	(v2sf) =	vpush v11, $0x6  }
0x67: {  	s26 =	spop (v2sf);
	(v2sf) =	vpush v11, $0x7  }
0x68: {  	s28 =	spop (v2sf)  }
0x69: {  	v50 =	vmul.f32 v15, v1;
	v51 =	vmul.f32 v16, v2;
	(v2sf) =	vpush v11, $0x8;
	s29 =	spop (v2sf)  }
0x6a: {  	(v2sf) =	vpush v11, $0x9;
	s30 =	spop (v2sf)  }
0x6b: {  	v52 =	vmul.f32 v17, v3;
	v10 =	vadd.f32 v51, v50;
	(v2sf) =	vpush v11, $0xA;
	s31 =	spop (v2sf)  }
0x6c: {  	(v2sf) =	vpush v11, $0xB;
	s2 =	spop (v2sf)  }
0x6d: {  	v53 =	vmul.f32 v18, v4;
	v10 =	vadd.f32 v52, v10;
	(v2sf) =	vpush v11, $0xC;
	s5 =	spop (v2sf)  }
0x6e: {  	s6 =	spop (v2sf);
	(v2sf) =	vpush v11, $0xD  }
0x6f: {  	v10 =	vadd.f32 v53, v10;
	s7 =	spop (v2sf);
	(v2sf) =	vpush v11, $0xE  }
0x70: {  	s9 =	spop (v2sf);
	(v2sf) =	vpush v11, $0xF  }
0x71: {  	s11 =	spop (v2sf);
	(v2sf) =	vpush v10, $0x0  }
0x72: {  	[sflag:s8] =	ssyncset.done $0x0;
	s12 =	spop (v2sf);
	(v2sf) =	vpush v10, $0x1  }
0x73: {  	[sflag:s8] =	ssyncadd.s32 $0xFFFF9C00;
	s13 =	spop (v2sf);
	(v2sf) =	vpush v10, $0x2  }
0x74: {  	v54 =	vld [tilespmem:$0xC800];
	s14 =	spop (v2sf);
	(v2sf) =	vpush v10, $0x3  }
0x75: {  	v55 =	vld [tilespmem:$0xC810];
	s15 =	spop (v2sf);
	(v2sf) =	vpush v10, $0x4  }
0x76: {  	v56 =	vld [tilespmem:$0xC820];
	[dreg:$0x11] =	wrdreg s17;
	s17 =	sadd.s32 $0x5780, s20;
	s16 =	spop (v2sf);
	(v2sf) =	vpush v10, $0x5  }
0x77: {  	v57 =	vld [tilespmem:$0xC830];
	[tilespmem:s3], [sflag:$0x2] =	stream.linear.gather [hbm4b:s17+s10], $0x6400, $0x38;
	(v2sf) =	vpush v10, $0x6  }
0x78: {  	[dreg:$0x14] =	wrdreg s18;
	s18 =	spop (v2sf);
	(v2sf) =	vpush v10, $0x7  }
0x79: {  	v58 =	vmul.f32 v19, v1;
	v59 =	vmul.f32 v20, v2;
	s0 =	spop (v2sf);
	(v2sf) =	vpush v10, $0x8  }
0x7a: {  	[dreg:$0x15] =	wrdreg s19;
	s19 =	spop (v2sf);
	(v2sf) =	vpush v10, $0x9  }
0x7b: {  	v60 =	vmul.f32 v21, v3;
	v15 =	vadd.f32 v59, v58;
	[dreg:$0x16] =	wrdreg s21;
	s21 =	spop (v2sf);
	(v2sf) =	vpush v10, $0xA  }
0x7c: {  	[dreg:$0x17] =	wrdreg s22;
	s22 =	spop (v2sf);
	(v2sf) =	vpush v10, $0xB  }
0x7d: {  	v61 =	vmul.f32 v22, v4;
	v15 =	vadd.f32 v60, v15;
	[dreg:$0x18] =	wrdreg s23;
	(v2sf) =	vpush v10, $0xC;
	s23 =	spop (v2sf)  }
0x7e: {  	[dreg:$0x19] =	wrdreg s24;
	(v2sf) =	vpush v10, $0xD;
	s24 =	spop (v2sf)  }
0x7f: {  	v15 =	vadd.f32 v61, v15;
	[dreg:$0x1a] =	wrdreg s25;
	(v2sf) =	vpush v10, $0xE;
	s25 =	spop (v2sf)  }
0x80: {  	[dreg:$0x1b] =	wrdreg s26;
	(v2sf) =	vpush v10, $0xF;
	s26 =	spop (v2sf)  }
0x81: {  	[dreg:$0x1c] =	wrdreg s28;
	(v2sf) =	vpush v15, $0x0;
	s28 =	spop (v2sf)  }
0x82: {  	[dreg:$0x12] =	wrdreg s29;
	(v2sf) =	vpush v15, $0x1;
	s29 =	spop (v2sf)  }
0x83: {  	[dreg:$0x13] =	wrdreg s30;
	(v2sf) =	vpush v15, $0x2;
	s30 =	spop (v2sf)  }
0x84: {  	[dreg:$0xf] =	wrdreg s31;
	(v2sf) =	vpush v15, $0x3;
	s31 =	spop (v2sf)  }
0x85: {  	(v2sf) =	vpush v15, $0x4;
	s3 =	spop (v2sf)  }
0x86: {  	[dreg:$0xd] =	wrdreg s5;
	(v2sf) =	vpush v15, $0x5;
	s5 =	spop (v2sf)  }
0x87: {  	[dreg:$0xe] =	wrdreg s6;
	(v2sf) =	vpush v15, $0x6;
	s6 =	spop (v2sf)  }
0x88: {  	[smem:$0x7C8] =	sst s7;
	(v2sf) =	vpush v15, $0x7;
	s7 =	spop (v2sf)  }
0x89: {  	v8 =	vmul.f32 v8, v1;
	v9 =	vmul.f32 v47, v2;
	[smem:$0x7C9] =	sst s9;
	(v2sf) =	vpush v15, $0x8;
	s9 =	spop (v2sf)  }
0x8a: {  	(v2sf) =	vpush v15, $0x9;
	s10 =	spop (v2sf)  }
0x8b: {  	v7 =	vmul.f32 v7, v3;
	v8 =	vadd.f32 v9, v8;
	[smem:$0x7CA] =	sst s11;
	(v2sf) =	vpush v15, $0xA;
	s11 =	spop (v2sf)  }
0x8c: {  	[smem:$0x7CB] =	sst s12;
	(v2sf) =	vpush v15, $0xB;
	s12 =	spop (v2sf)  }
0x8d: {  	v6 =	vmul.f32 v6, v4;
	v7 =	vadd.f32 v7, v8;
	[smem:$0x7CC] =	sst s13;
	(v2sf) =	vpush v15, $0xC;
	s13 =	spop (v2sf)  }
0x8e: {  	[smem:$0x7CD] =	sst s14;
	(v2sf) =	vpush v15, $0xD;
	s14 =	spop (v2sf)  }
0x8f: {  	v6 =	vadd.f32 v6, v7;
	[smem:$0x7CE] =	sst s15;
	(v2sf) =	vpush v15, $0xE;
	s15 =	spop (v2sf)  }
0x90: {  	[smem:$0x7DE] =	sst s6;
	(v2sf) =	vpush v15, $0xF;
	s6 =	spop (v2sf)  }
0x91: {  	[smem:$0x7DD] =	sst s5;
	(v2sf) =	vpush v6, $0x0;
	s5 =	spop (v2sf)  }
0x92: {  	[smem:$0x7DF] =	sst s7;
	(v2sf) =	vpush v6, $0x1;
	s7 =	spop (v2sf)  }
0x93: {  	[smem:$0x7E0] =	sst s9;
	(v2sf) =	vpush v6, $0x2;
	s9 =	spop (v2sf)  }
0x94: {  	[dreg:$0x1d] =	wrdreg s15;
	(v2sf) =	vpush v6, $0x3;
	s15 =	spop (v2sf)  }
0x95: {  	[dreg:$0x1f] =	wrdreg s12;
	(v2sf) =	vpush v6, $0x4;
	s12 =	spop (v2sf)  }
0x96: {  	[dreg:$0x1e] =	wrdreg s14;
	(v2sf) =	vpush v6, $0x5;
	s14 =	spop (v2sf)  }
0x97: {  	[smem:$0x7D0] =	sst s18;
	(v2sf) =	vpush v6, $0x6;
	s18 =	spop (v2sf)  }
0x98: {  	[smem:$0x7D2] =	sst s21;
	(v2sf) =	vpush v6, $0x7;
	s21 =	spop (v2sf)  }
0x99: {  	v8 =	vmul.f32 v55, v2;
	v7 =	vmul.f32 v54, v1;
	[smem:$0x7D3] =	sst s22;
	(v2sf) =	vpush v6, $0x8;
	s22 =	spop (v2sf)  }
0x9a: {  	[smem:$0x7DA] =	sst s30;
	(v2sf) =	vpush v6, $0x9;
	s30 =	spop (v2sf)  }
0x9b: {  	v7 =	vadd.f32 v8, v7;
	v8 =	vmul.f32 v56, v3;
	[smem:$0x7DB] =	sst s31;
	(v2sf) =	vpush v6, $0xA;
	s31 =	spop (v2sf)  }
0x9c: {  	[smem:$0x7D7] =	sst s26;
	(v2sf) =	vpush v6, $0xB;
	s26 =	spop (v2sf)  }
0x9d: {  	v7 =	vadd.f32 v8, v7;
	v8 =	vmul.f32 v57, v4;
	[smem:$0x7D8] =	sst s28;
	(v2sf) =	vpush v6, $0xC;
	s28 =	spop (v2sf)  }
0x9e: {  	[smem:$0x7CF] =	sst s16;
	(v2sf) =	vpush v6, $0xD;
	s16 =	spop (v2sf)  }
0x9f: {  	v7 =	vadd.f32 v8, v7;
	[dreg:$0x10] =	wrdreg s2;
	(v2sf) =	vpush v6, $0xE;
	s17 =	spop (v2sf)  }
0xa0: {  	[smem:$0x7D1] =	sst s19;
	(v2sf) =	vpush v6, $0xF;
	s19 =	spop (v2sf)  }
0xa1: {  	[smem:$0x7D4] =	sst s23;
	(v2sf) =	vpush v7, $0x0;
	s23 =	spop (v2sf)  }
0xa2: {  	[smem:$0x7D5] =	sst s24;
	(v2sf) =	vpush v7, $0x1;
	s24 =	spop (v2sf)  }
0xa3: {  	[smem:$0x7D6] =	sst s25;
	(v2sf) =	vpush v7, $0x2;
	s25 =	spop (v2sf)  }
0xa4: {  	[smem:$0x7D9] =	sst s29;
	(v2sf) =	vpush v7, $0x3;
	s29 =	spop (v2sf)  }
0xa5: {  	[smem:$0x7DC] =	sst s3;
	(v2sf) =	vpush v7, $0x4;
	s3 =	spop (v2sf)  }
0xa6: {  	[smem:$0x7E1] =	sst s10;
	(v2sf) =	vpush v7, $0x5;
	s10 =	spop (v2sf)  }
0xa7: {  	[smem:$0x7E2] =	sst s11;
	(v2sf) =	vpush v7, $0x6;
	s11 =	spop (v2sf)  }
0xa8: {  	[smem:$0x7E3] =	sst s13;
	(v2sf) =	vpush v7, $0x7;
	s13 =	spop (v2sf)  }
0xa9: {  	[smem:$0x7E4] =	sst s16;
	(v2sf) =	vpush v7, $0x8;
	s16 =	spop (v2sf)  }
0xaa: {  	[smem:$0x7E5] =	sst s17;
	(v2sf) =	vpush v7, $0x9;
	s17 =	spop (v2sf)  }
0xab: {  	[smem:$0x7E6] =	sst s19;
	(v2sf) =	vpush v7, $0xA;
	s19 =	spop (v2sf)  }
0xac: {  	[smem:$0x7E7] =	sst s23;
	(v2sf) =	vpush v7, $0xB;
	s23 =	spop (v2sf)  }
0xad: {  	[smem:$0x7E8] =	sst s24;
	(v2sf) =	vpush v7, $0xC;
	s24 =	spop (v2sf)  }
0xae: {  	[smem:$0x7E9] =	sst s25;
	(v2sf) =	vpush v7, $0xD;
	s25 =	spop (v2sf)  }
0xaf: {  	[smem:$0x7EA] =	sst s29;
	(v2sf) =	vpush v7, $0xE;
	s29 =	spop (v2sf)  }
0xb0: {  	[smem:$0x7ED] =	sst s11;
	(v2sf) =	vpush v7, $0xF;
	s11 =	spop (v2sf)  }
0xb1: {  	[smem:$0x7EC] =	sst s10;
	s10 =	spop (v2sf)  }
0xb2: {  	[smem:$0x7EE] =	sst s13;
	s13 =	spop (v2sf)  }
0xb3: {  	[smem:$0x7EF] =	sst s16;
	s16 =	spop (v2sf)  }
0xb4: {  	[smem:$0x7F0] =	sst s17;
	s17 =	spop (v2sf)  }
0xb5: {  	[smem:$0x7F2] =	sst s19;
	s19 =	spop (v2sf)  }
0xb6: {  	[smem:$0x7F4] =	sst s23;
	s23 =	spop (v2sf)  }
0xb7: {  	[smem:$0x7F6] =	sst s24;
	s24 =	spop (v2sf)  }
0xb8: {  	[smem:$0x7F8] =	sst s25;
	s25 =	spop (v2sf)  }
0xb9: {  	[smem:$0x7FA] =	sst s29;
	s29 =	spop (v2sf)  }
0xba: {  	[smem:$0x7EB] =	sst s3;
	s3 =	spop (v2sf)  }
0xbb: {  	[smem:$0x7F1] =	sst s3;
	s3 =	spop (v2sf)  }
0xbc: {  	[smem:$0x7F3] =	sst s3;
	s3 =	spop (v2sf)  }
0xbd: {  	[smem:$0x7F5] =	sst s3;
	s3 =	spop (v2sf)  }
0xbe: {  	[smem:$0x7F7] =	sst s3;
	s3 =	spop (v2sf)  }
0xbf: {  	[smem:$0x7F9] =	sst s3;
	s3 =	spop (v2sf)  }
0xc0: {  	[smem:$0x7FB] =	sst s3  }
0xc1: {  	_ =	swait.ge [sflag:s4], $0x6400  }
0xc2: {  	[sflag:s4] =	ssyncset.done $0x0  }
0xc3: {  	[sflag:s4] =	ssyncadd.s32 $0xFFFF9C00  }
0xc4: {  	p0 =	seq.s32 s1, $0x2BC00;
	s2 =	rddreg [dreg:$0x9];
	v6 =	vld [tilespmem:$0x6400]  }
0xc5: {  	s3 =	simm.s32 @!p0 $0x6400;
	s1 =	sadd.s32 @!p0 s1, s2;
	v7 =	vld [tilespmem:$0x6410]  }
0xc6: {  	s2 =	simm.s32 @!p0 $0x0;
	s4 =	rddreg [dreg:$0x14];
	v8 =	vld [tilespmem:$0x6420];
	s1 =	sadd.s32 @!p0 $0x6400, s1  }
0xc7: {  	v62 =	vld [tilespmem:$0x6430];
	[tilespmem:s3], [sflag:$0x1] =	stream.linear.gather @!p0 [hbm4b:s1+s2], $0x6400, $0x38  }
0xc8: {  	s3 =	rddreg [dreg:$0x11]  }
0xc9: {  	s1 =	sadd.f32 s4, s3  }
0xca: {  	s3 =	sld [smem:$0x7C8]  }
0xcb: {  	s4 =	sld [smem:$0x7C9];
	_ =	sdelay $0x2  }
0xcc: {  	s2 =	sadd.f32 s4, s3  }
0xcd: {  	s4 =	rddreg [dreg:$0x15]  }
0xce: {  	s1 =	sadd.f32 s1, s4  }
0xcf: {  	s4 =	sld [smem:$0x7CA];
	_ =	sdelay $0x2  }
0xd0: {  	s2 =	sadd.f32 s2, s4  }
0xd1: {  	s4 =	rddreg [dreg:$0x16]  }
0xd2: {  	s1 =	sadd.f32 s1, s4  }
0xd3: {  	s4 =	sld [smem:$0x7CB];
	_ =	sdelay $0x2  }
0xd4: {  	s2 =	sadd.f32 s2, s4  }
0xd5: {  	s4 =	rddreg [dreg:$0x17]  }
0xd6: {  	s1 =	sadd.f32 s1, s4  }
0xd7: {  	s4 =	sld [smem:$0x7CC];
	_ =	sdelay $0x2  }
0xd8: {  	s2 =	sadd.f32 s2, s4  }
0xd9: {  	s4 =	rddreg [dreg:$0x18]  }
0xda: {  	s1 =	sadd.f32 s1, s4  }
0xdb: {  	s4 =	sld [smem:$0x7CD];
	_ =	sdelay $0x2  }
0xdc: {  	s2 =	sadd.f32 s2, s4  }
0xdd: {  	s4 =	rddreg [dreg:$0x19]  }
0xde: {  	s1 =	sadd.f32 s1, s4  }
0xdf: {  	s4 =	sld [smem:$0x7CE];
	_ =	sdelay $0x2  }
0xe0: {  	s2 =	sadd.f32 s2, s4  }
0xe1: {  	s4 =	rddreg [dreg:$0x1a]  }
0xe2: {  	s1 =	sadd.f32 s1, s4  }
0xe3: {  	s4 =	sld [smem:$0x7CF];
	_ =	sdelay $0x1  }
0xe4: {  	s5 =	sadd.f32 s5, s6  }
0xe5: {  	s2 =	sadd.f32 s2, s4  }
0xe6: {  	s4 =	rddreg [dreg:$0x1b]  }
0xe7: {  	s1 =	sadd.f32 s1, s4  }
0xe8: {  	s4 =	sld [smem:$0x7D0]  }
0xe9: {  	s6 =	sld [smem:$0x7D9]  }
0xea: {  	s3 =	sld [smem:$0x7D1]  }
0xeb: {  	s2 =	sadd.f32 s2, s4  }
0xec: {  	s4 =	rddreg [dreg:$0x1c]  }
0xed: {  	s1 =	sadd.f32 s1, s4  }
0xee: {  	s4 =	rddreg [dreg:$0x12]  }
0xef: {  	s0 =	sadd.f32 s2, s0  }
0xf0: {  	s2 =	sld [smem:$0x7D6]  }
0xf1: {  	s1 =	sadd.f32 s1, s4  }
0xf2: {  	s4 =	rddreg [dreg:$0x13]  }
0xf3: {  	s0 =	sadd.f32 s0, s3  }
0xf4: {  	s3 =	sld [smem:$0x7D2]  }
0xf5: {  	s1 =	sadd.f32 s1, s4  }
0xf6: {  	s4 =	rddreg [dreg:$0xf]  }
0xf7: {  	s0 =	sadd.f32 s0, s3  }
0xf8: {  	s1 =	sadd.f32 s1, s4  }
0xf9: {  	s3 =	sld [smem:$0x7D3]  }
0xfa: {  	s4 =	rddreg [dreg:$0x10]  }
0xfb: {  	s1 =	sadd.f32 s1, s4  }
0xfc: {  	s4 =	rddreg [dreg:$0xd]  }
0xfd: {  	s0 =	sadd.f32 s0, s3  }
0xfe: {  	s3 =	sld [smem:$0x7D4]  }
0xff: {  	s1 =	sadd.f32 s1, s4  }
0x100: {  	s4 =	rddreg [dreg:$0xe]  }
0x101: {  	s0 =	sadd.f32 s0, s3  }
0x102: {  	s3 =	sld [smem:$0x7D5]  }
0x103: {  	s1 =	sadd.f32 s1, s4  }
0x104: {  	s4 =	sld [smem:$0x7D8]  }
0x105: {  	[smem:$0x7FC] =	sst s1  }
0x106: {  	s1 =	sadd.f32 s5, s7  }
0x107: {  	v6 =	vmul.f32 v6, v1;
	v7 =	vmul.f32 v7, v2;
	s7 =	sld [smem:$0x7DA]  }
0x108: {  	s5 =	sld [smem:$0x7DE]  }
0x109: {  	v6 =	vadd.f32 v7, v6;
	v7 =	vmul.f32 v8, v3;
	s0 =	sadd.f32 s0, s3  }
0x10a: {  	s3 =	sld [smem:$0x7D7]  }
0x10b: {  	v6 =	vadd.f32 v7, v6;
	v7 =	vmul.f32 v62, v4;
	s1 =	sadd.f32 s1, s9  }
0x10c: {  	s9 =	sld [smem:$0x7DB]  }
0x10d: {  	v6 =	vadd.f32 v7, v6;
	s0 =	sadd.f32 s0, s2  }
0x10e: {  	s1 =	sadd.f32 s1, s15  }
0x10f: {  	(v2sf) =	vpush v6, $0x0;
	[smem:$0x7FD] =	sst s0  }
0x110: {  	(v2sf) =	vpush v6, $0x1;
	s0 =	sadd.f32 s4, s3  }
0x111: {  	s3 =	sld [smem:$0x7DC]  }
0x112: {  	s4 =	sld [smem:$0x7DD]  }
0x113: {  	(v2sf) =	vpush v6, $0x2;
	s1 =	sadd.f32 s1, s12  }
0x114: {  	s0 =	sadd.f32 s0, s6  }
0x115: {  	s12 =	sld [smem:$0x7DF]  }
0x116: {  	s0 =	sadd.f32 s0, s7  }
0x117: {  	(v2sf) =	vpush v6, $0x3;
	s1 =	sadd.f32 s1, s14  }
0x118: {  	s0 =	sadd.f32 s0, s9  }
0x119: {  	s14 =	sld [smem:$0x7E0]  }
0x11a: {  	s0 =	sadd.f32 s0, s3  }
0x11b: {  	(v2sf) =	vpush v6, $0x4;
	s7 =	sadd.f32 s1, s18  }
0x11c: {  	s0 =	sadd.f32 s0, s4  }
0x11d: {  	s18 =	sld [smem:$0x7E1]  }
0x11e: {  	(v2sf) =	vpush v6, $0x5;
	s4 =	spop (v2sf);
	s6 =	sadd.f32 s0, s5  }
0x11f: {  	s2 =	spop (v2sf);
	s5 =	sadd.f32 s7, s21  }
0x120: {  	s2 =	sadd.f32 s2, s4  }
0x121: {  	(v2sf) =	vpush v6, $0x6;
	s3 =	sadd.f32 s6, s12  }
0x122: {  	(v2sf) =	vpush v6, $0x7;
	s1 =	spop (v2sf);
	s15 =	sadd.f32 s5, s22  }
0x123: {  	(v2sf) =	vpush v6, $0x8;
	s1 =	sadd.f32 s2, s1  }
0x124: {  	(v2sf) =	vpush v6, $0x9;
	s3 =	sadd.f32 s3, s14  }
0x125: {  	(v2sf) =	vpush v6, $0xA;
	s12 =	sadd.f32 s15, s30  }
0x126: {  	(v2sf) =	vpush v6, $0xB;
	s9 =	spop (v2sf);
	s30 =	sld [smem:$0x7E2]  }
0x127: {  	(v2sf) =	vpush v6, $0xC;
	s1 =	sadd.f32 s1, s9  }
0x128: {  	(v2sf) =	vpush v6, $0xD;
	s21 =	sadd.f32 s3, s18  }
0x129: {  	(v2sf) =	vpush v6, $0xE;
	s12 =	sadd.f32 s12, s31  }
0x12a: {  	(v2sf) =	vpush v6, $0xF;
	s7 =	spop (v2sf);
	s31 =	rddreg [dreg:$0x1f]  }
0x12b: {  	s1 =	sadd.f32 s1, s7  }
0x12c: {  	s14 =	sadd.f32 s21, s30  }
0x12d: {  	s6 =	spop (v2sf);
	s12 =	sadd.f32 s12, s26  }
0x12e: {  	s1 =	sadd.f32 s1, s6  }
0x12f: {  	s0 =	sadd.f32 s14, s31  }
0x130: {  	s5 =	spop (v2sf);
	s31 =	sld [smem:$0x7E3]  }
0x131: {  	s3 =	spop (v2sf);
	s1 =	sadd.f32 s1, s5  }
0x132: {  	s22 =	spop (v2sf);
	s30 =	rddreg [dreg:$0x1e]  }
0x133: {  	s21 =	spop (v2sf);
	s1 =	sadd.f32 s1, s3  }
0x134: {  	s18 =	spop (v2sf);
	s0 =	sadd.f32 s0, s31  }
0x135: {  	s15 =	spop (v2sf);
	s1 =	sadd.f32 s1, s22  }
0x136: {  	s14 =	spop (v2sf);
	s30 =	sadd.f32 s0, s30  }
0x137: {  	s31 =	spop (v2sf);
	s0 =	sld [smem:$0x7E4]  }
0x138: {  	s12 =	sadd.f32 s12, s28;
	s28 =	spop (v2sf)  }
0x139: {  	s26 =	spop (v2sf);
	s1 =	sadd.f32 s1, s21  }
0x13a: {  	_ =	swait.ge [sflag:s8], $0x6400;
	s12 =	sadd.f32 s12, s0  }
0x13b: {  	s0 =	rddreg [dreg:$0x1d]  }
0x13c: {  	s1 =	sadd.f32 s1, s18  }
0x13d: {  	s30 =	sadd.f32 s30, s0  }
0x13e: {  	[sflag:s8] =	ssyncset.done $0x0;
	s0 =	sld [smem:$0x7E5]  }
0x13f: {  	[sflag:s8] =	ssyncadd.s32 $0xFFFF9C00;
	s8 =	sld [smem:$0x7E7]  }
0x140: {  	s1 =	sadd.f32 s1, s15  }
0x141: {  	s12 =	sadd.f32 s12, s0  }
0x142: {  	s0 =	sld [smem:$0x7E6];
	_ =	sdelay $0x1  }
0x143: {  	s1 =	sadd.f32 s1, s14  }
0x144: {  	s0 =	sadd.f32 s8, s0  }
0x145: {  	s8 =	sadd.f32 s10, s11  }
0x146: {  	s11 =	sld [smem:$0x7E8]  }
0x147: {  	s8 =	sadd.f32 s8, s13  }
0x148: {  	s13 =	sld [smem:$0x7E9]  }
0x149: {  	s0 =	sadd.f32 s0, s11  }
0x14a: {  	s11 =	sld [smem:$0x7EE]  }
0x14b: {  	s8 =	sadd.f32 s8, s16  }
0x14c: {  	s16 =	sld [smem:$0x7EA]  }
0x14d: {  	s0 =	sadd.f32 s0, s13  }
0x14e: {  	v6 =	vld [tilespmem:$0xC800];
	s13 =	sld [smem:$0x7EF]  }
0x14f: {  	v7 =	vld [tilespmem:$0xC810];
	s8 =	sadd.f32 s8, s17  }
0x150: {  	s17 =	sld [smem:$0x7EB]  }
0x151: {  	v8 =	vld [tilespmem:$0xC820];
	s0 =	sadd.f32 s0, s16  }
0x152: {  	s16 =	sld [smem:$0x7F0]  }
0x153: {  	v63 =	vld [tilespmem:$0xC830];
	s8 =	sadd.f32 s8, s19  }
0x154: {  	v6 =	vmul.f32 v6, v1;
	v7 =	vmul.f32 v7, v2;
	s19 =	sld [smem:$0x7EC]  }
0x155: {  	s0 =	sadd.f32 s0, s17  }
0x156: {  	v6 =	vadd.f32 v7, v6;
	v7 =	vmul.f32 v8, v3;
	s17 =	sld [smem:$0x7F1]  }
0x157: {  	s8 =	sadd.f32 s8, s23  }
0x158: {  	v6 =	vadd.f32 v7, v6;
	v7 =	vmul.f32 v63, v4;
	s23 =	sld [smem:$0x7ED]  }
0x159: {  	s0 =	sadd.f32 s0, s19  }
0x15a: {  	v6 =	vadd.f32 v7, v6;
	s19 =	sld [smem:$0x7F2]  }
0x15b: {  	s8 =	sadd.f32 s8, s24  }
0x15c: {  	(v2sf) =	vpush v6, $0x0;
	s24 =	sld [smem:$0x7F4]  }
0x15d: {  	(v2sf) =	vpush v6, $0x1;
	s0 =	sadd.f32 s0, s23  }
0x15e: {  	s23 =	sld [smem:$0x7F3]  }
0x15f: {  	(v2sf) =	vpush v6, $0x2;
	s8 =	sadd.f32 s8, s25  }
0x160: {  	s25 =	sld [smem:$0x7F5]  }
0x161: {  	(v2sf) =	vpush v6, $0x3;
	s0 =	sadd.f32 s0, s11  }
0x162: {  	s11 =	sld [smem:$0x7F7]  }
0x163: {  	(v2sf) =	vpush v6, $0x4;
	s8 =	sadd.f32 s8, s29  }
0x164: {  	s29 =	sld [smem:$0x7F6]  }
0x165: {  	(v2sf) =	vpush v6, $0x5;
	s0 =	sadd.f32 s0, s13  }
0x166: {  	s13 =	sld [smem:$0x7F8]  }
0x167: {  	(v2sf) =	vpush v6, $0x6;
	s8 =	sadd.f32 s8, s17  }
0x168: {  	s0 =	sadd.f32 s0, s16  }
0x169: {  	(v2sf) =	vpush v6, $0x7;
	s17 =	sld [smem:$0x7FA]  }
0x16a: {  	s0 =	sadd.f32 s0, s19  }
0x16b: {  	s8 =	sadd.f32 s8, s23;
	s23 =	spop (v2sf);
	(v2sf) =	vpush v6, $0x8  }
0x16c: {  	s0 =	sadd.f32 s0, s24;
	s24 =	spop (v2sf)  }
0x16d: {  	(v2sf) =	vpush v6, $0x9;
	s4 =	sadd.f32 s24, s23  }
0x16e: {  	s8 =	sadd.f32 s8, s25;
	s25 =	spop (v2sf)  }
0x16f: {  	(v2sf) =	vpush v6, $0xA;
	s2 =	sadd.f32 s4, s25  }
0x170: {  	s0 =	sadd.f32 s0, s29;
	s29 =	spop (v2sf)  }
0x171: {  	(v2sf) =	vpush v6, $0xB;
	s2 =	sadd.f32 s2, s29  }
0x172: {  	s16 =	sld [smem:$0x7F9];
	s9 =	spop (v2sf)  }
0x173: {  	(v2sf) =	vpush v6, $0xC;
	s2 =	sadd.f32 s2, s9  }
0x174: {  	s19 =	sld [smem:$0x7FB];
	s10 =	spop (v2sf)  }
0x175: {  	(v2sf) =	vpush v6, $0xD;
	s2 =	sadd.f32 s2, s10  }
0x176: {  	s8 =	sadd.f32 s8, s11;
	s11 =	spop (v2sf)  }
0x177: {  	(v2sf) =	vpush v6, $0xE;
	s2 =	sadd.f32 s2, s11  }
0x178: {  	s0 =	sadd.f32 s0, s13;
	s13 =	spop (v2sf)  }
0x179: {  	(v2sf) =	vpush v6, $0xF;
	s2 =	sadd.f32 s2, s13  }
0x17a: {  	s8 =	sadd.f32 s8, s16;
	s16 =	spop (v2sf)  }
0x17b: {  	s2 =	sadd.f32 s2, s16  }
0x17c: {  	s0 =	sadd.f32 s0, s17;
	s17 =	spop (v2sf)  }
0x17d: {  	s2 =	sadd.f32 s2, s17  }
0x17e: {  	s8 =	sadd.f32 s8, s19;
	s19 =	spop (v2sf)  }
0x17f: {  	s2 =	sadd.f32 s2, s19  }
0x180: {  	s23 =	sld [smem:$0x7FC];
	s21 =	spop (v2sf)  }
0x181: {  	s2 =	sadd.f32 s2, s21  }
0x182: {  	s25 =	sld [smem:$0x7FD];
	s22 =	spop (v2sf)  }
0x183: {  	v6 =	vmov s23;
	s2 =	sadd.f32 s2, s22  }
0x184: {  	s1 =	sadd.f32 s1, s31;
	v6 =	vnsel vm0, $0x0, v6;
	s24 =	spop (v2sf)  }
0x185: {  	v6 =	vsel vm1, s25, v6;
	s2 =	sadd.f32 s2, s24  }
0x186: {  	s1 =	sadd.f32 s1, s28;
	v6 =	vsel vm2, s30, v6;
	s29 =	spop (v2sf)  }
0x187: {  	v6 =	vsel vm3, s12, v6;
	s2 =	sadd.f32 s2, s29  }
0x188: {  	s1 =	sadd.f32 s1, s26;
	v6 =	vsel vm4, s0, v6;
	s31 =	spop (v2sf)  }
.Ltmp2:
0x189: {  	v6 =	vsel vm5, s8, v6;
	s0 =	sadd.f32 s2, s31;
	(pc) =	sbr.rel @p0 .LBB2_4-.Ltmp2, $3  }
0x18a: {  	vm7 =	veq.s32 v0, $0x7;
	v6 =	vsel vm6, s1, v6  }
0x18b: {  	v6 =	vsel vm7, s0, v6  }
0x18c: {  	v6 =	vadd.f32 v6, v5;
	_ =	sdelay $0x1  }
0x18d: {  	s0 =	sadd.s32 $0x7080, s20;
	s10 =	simm.s32 $0x0  }
.Ltmp3:
0x18e: {  	s1 =	simm.s32 $0xC800;
	s30 =	rddreg [dreg:$0xc];
	(pc) =	sbr.rel .LBB2_2-.Ltmp3, $4  }
0x18f: {  	[tilespmem:s1], [sflag:$0x2] =	stream.linear.gather [hbm4b:s0+s10], $0x6400, $0x38;
	[tilespmem:$0x12CD0] =	vst v63  }
0x190: {  	s31 =	rddreg [dreg:$0xb];
	s0 =	sadd.s32 $0x10, s30  }
0x191: {  	[dreg:$0xc] =	wrdreg s0;
	s0 =	sadd.s32 $0x6400, s31  }
0x192: {  	s3 =	simm.s32 $0xC800;
	[tilespmem:s30+$0x0] =	vst v6;
	[dreg:$0xb] =	wrdreg s0  }
.LBB2_5:
0x193: {  	_ =	sfence.sel $0x180000  }
0x194: {  	[bflag:$0x0] =	sbarrier.arrive $0xFFFF  }
0x195: {  	_ =	strace $0x90000047  }
0x196: {  	s0 =	stileid.u32;
	[bflag:$0x2] =	sbarrier.arrive $0xFFFF  }
0x197: {  	p0 =	sne.s32 s0, $0x0;
	s0 =	rddreg [dreg:$0x2]  }
0x198: {  	s0 =	sadd.s32 @!p0 $0x100000, s0  }
0x199: {  	[sflag:s0] =	ssyncadd.tile.s32 @!p0 $0x1;
	_ =	shalt  }
.Lfunc_end2:
_tile_overlayer_lowered:
.L_overlay_start_2:
0x19a: {  	(tag) =	ssettag $0x2  }
0x19b: {  	s0 =	rddreg [dreg:$0x0];
	s2 =	stileid.u32  }
0x19c: {  	s1 =	rddreg [dreg:$0x1];
	p0 =	sne.s32 s2, $0x0  }
0x19d: {  	s3 =	rddreg [dreg:$0x2];
	[bflag:$0x3] =	sbarrier.arrive $0xFFFF;
	s2 =	simm.s32 @!p0 $0x1C03  }
0x19e: {  	[timem:s3], [sflag:s2] =	dma.local @!p0 [hbm:s0], s1  }
0x19f: {  	s0 =	simm.s32 @!p0 $0x3  }
0x1a0: {  	_ =	swait.ge @!p0 [sflag:s0], s1  }
0x1a1: {  	s1 =	ssub.s32 @!p0 $0x0, s1;
	[sflag:s0] =	ssyncset.done @!p0 $0x0  }
0x1a2: {  	[sflag:s0] =	ssyncadd.s32 @!p0 s1  }
0x1a3: {  	[bflag:$0x3] =	sbarrier.arrive $0xFFFF  }
0x1a4: {  	_ =	shalt  }

</sc_bundles>
